<compile_context>
chip_gen: v7x
topology: tpu7x:2x2x1
jax: 0.10.2.dev20260603
libtpu: 0.0.44.dev20260713+nightly
codegen_flags: <defaults>
</compile_context>

<pallas_src>
import jax
import jax.numpy as jnp
from jax import lax
from jax.experimental import pallas as pl
from jax.experimental.pallas import tpu as pltpu
from jax.experimental.pallas import tpu_sc as plsc

VOCAB_ROWS = 1000000
EMB_DIM = 64
N_SEQ = 4096
SEQ_LEN = 200
N_TOK = N_SEQ * SEQ_LEN

_info = plsc.get_sparse_core_info()
_NC = _info.num_cores
_NS = _info.num_subcores
_NW = _NC * _NS
_TOK_PER_W = N_TOK // _NW
_CHUNK = 256
_NB = 4
_N_CHUNKS = _TOK_PER_W // _CHUNK


def _emb_body(ids_hbm, table_hbm, out_hbm, idx_v, rows_v,
              g0, g1, g2, g3, w0, w1, w2, w3):
    gsems = (g0, g1, g2, g3)
    wsems = (w0, w1, w2, w3)
    wid = lax.axis_index("s") * _NC + lax.axis_index("c")
    base = wid * _TOK_PER_W
    pltpu.sync_copy(ids_hbm.at[pl.ds(base, _TOK_PER_W)], idx_v)

    def start_gather(c, b):
        pltpu.async_copy(
            table_hbm.at[idx_v.at[pl.ds(c * _CHUNK, _CHUNK)]],
            rows_v.at[b], gsems[b])

    def wait_gather(b):
        pltpu.make_async_copy(
            table_hbm.at[idx_v.at[pl.ds(0, _CHUNK)]],
            rows_v.at[b], gsems[b]).wait()

    def start_write(c, b):
        pltpu.async_copy(
            rows_v.at[b],
            out_hbm.at[pl.ds(base + c * _CHUNK, _CHUNK), pl.ds(0, EMB_DIM)],
            wsems[b])

    def wait_write(b):
        pltpu.make_async_copy(
            rows_v.at[b],
            out_hbm.at[pl.ds(base, _CHUNK), pl.ds(0, EMB_DIM)],
            wsems[b]).wait()

    for b in range(_NB):
        start_gather(b, b)

    def group(k, carry):
        for b in range(_NB):
            c = k * _NB + b
            wait_gather(b)
            start_write(c, b)
            wait_write(b)
            start_gather(c + _NB, b)
        return carry

    lax.fori_loop(0, _N_CHUNKS // _NB - 1, group, 0)

    for b in range(_NB):
        c = (_N_CHUNKS // _NB - 1) * _NB + b
        wait_gather(b)
        start_write(c, b)
        wait_write(b)


@jax.jit
def kernel(input_ids, table):
    ids_flat = jnp.reshape(input_ids.astype(jnp.int32), (N_TOK,))
    gather = pl.kernel(
        _emb_body,
        mesh=plsc.VectorSubcoreMesh(core_axis_name="c", subcore_axis_name="s"),
        out_type=jax.ShapeDtypeStruct((N_TOK, 2 * EMB_DIM), jnp.float32),
        scratch_types=[
            pltpu.VMEM((_TOK_PER_W,), jnp.int32),
            pltpu.VMEM((_NB, _CHUNK, EMB_DIM), jnp.float32),
        ] + [pltpu.SemaphoreType.DMA] * (2 * _NB),
        compiler_params=pltpu.CompilerParams(use_tc_tiling_on_sc=False),
    )
    out128 = gather(ids_flat, table)
    out3 = jnp.reshape(out128, (N_SEQ, SEQ_LEN, 2 * EMB_DIM))
    return out3[:, :, :EMB_DIM]

# --- scband reference (transcript-rebuilt; emitter-appended) ---
"""Pipeline reference for scband-word-embedding-layer-72791105733332 (READ-ONLY COPY).

The authoritative reference and input builder live on the scoring server;
editing this copy changes nothing except your own understanding.
"""

import jax, jax.numpy as jnp
import numpy as np

VOCAB = 1000000
DIM = 64
B = 4096
L = 200

def setup_inputs(seed: int = 0) -> dict:
    key = jax.random.key(seed)
    k_ids, k_tab = jax.random.split(key)
    input_ids = jax.random.randint(k_ids, (B, L), 0, VOCAB, dtype=jnp.int64 if jax.config.jax_enable_x64 else jnp.int32)
    table = jax.random.normal(k_tab, (VOCAB, DIM), dtype=jnp.float32) * 0.02
    return {"input_ids": input_ids, "table": table}

def reference(input_ids, table):
    # nn.Embedding forward: gather rows of the embedding table
    input_emb = jnp.take(table, input_ids, axis=0)
    return input_emb

if __name__ == "__main__":
    import jax
    _d = setup_inputs()
    print(jax.jit(kernel)(*tuple(_d.values())))

</pallas_src>

<mosaic_0001>
#map = affine_map<(d0, d1) -> (0)>
#map1 = affine_map<(d0, d1) -> (0, 0)>
module attributes {stable_mosaic.version = 14 : i64} {
  func.func @_emb_body(%arg0: i32, %arg1: i32, %arg2: memref<819200xi32, #tpu.memory_space<hbm>>, %arg3: memref<1000000x64xf32, #tpu.memory_space<hbm>>, %arg4: memref<819200x128xf32, #tpu.memory_space<hbm>>, %arg5: memref<25600xi32, #tpu.memory_space<vmem>>, %arg6: memref<4x256x64xf32, #tpu.memory_space<vmem>>, %arg7: memref<!tpu.dma_semaphore, #tpu.memory_space<semaphore_mem>>, %arg8: memref<!tpu.dma_semaphore, #tpu.memory_space<semaphore_mem>>, %arg9: memref<!tpu.dma_semaphore, #tpu.memory_space<semaphore_mem>>, %arg10: memref<!tpu.dma_semaphore, #tpu.memory_space<semaphore_mem>>, %arg11: memref<!tpu.dma_semaphore, #tpu.memory_space<semaphore_mem>>, %arg12: memref<!tpu.dma_semaphore, #tpu.memory_space<semaphore_mem>>, %arg13: memref<!tpu.dma_semaphore, #tpu.memory_space<semaphore_mem>>, %arg14: memref<!tpu.dma_semaphore, #tpu.memory_space<semaphore_mem>>) attributes {dimension_semantics = [#tpu.dimension_semantics<core_parallel>, #tpu.dimension_semantics<subcore_parallel>], iteration_bounds = array<i64: 2, 16>, scalar_prefetch = 0 : i64, scratch_operands = 10 : i64, tpu.core_type = #tpu.core_type<sc_vector_subcore>, window_params = [{transform_indices = #map}, {transform_indices = #map1}, {transform_indices = #map1}]} {
    %mul3A = arith.constant 2 : i32
    %mul3A_0 = arith.muli %arg1, %mul3A : i32
    %add3A = arith.addi %mul3A_0, %arg0 : i32
    %mul3A_1 = arith.constant 25600 : i32
    %mul3A_2 = arith.muli %add3A, %mul3A_1 : i32
    "tpu.region"() ({
      %run_scoped3A = tpu.sem_alloc : memref<!tpu.dma_semaphore, #tpu.memory_space<semaphore_mem>>
      %dma_start3A_198 = tpu.memref_slice %arg2[%mul3A_2] : memref<819200xi32, #tpu.memory_space<hbm>> -> memref<25600xi32, #tpu.memory_space<hbm>>
      %dma_start3A_199 = tpu.memref_slice %arg2[%mul3A_2] : memref<819200xi32, #tpu.memory_space<hbm>> -> memref<25600xi32, #tpu.memory_space<hbm>>
      tpu.enqueue_dma source(%dma_start3A_199 : memref<25600xi32, #tpu.memory_space<hbm>>) target(%arg5 : memref<25600xi32, #tpu.memory_space<vmem>>) target_semaphore(%run_scoped3A : memref<!tpu.dma_semaphore, #tpu.memory_space<semaphore_mem>>)
      %dma_wait3A_200 = tpu.memref_slice %arg2[%mul3A_2] : memref<819200xi32, #tpu.memory_space<hbm>> -> memref<25600xi32, #tpu.memory_space<hbm>>
      %dma_wait3A_201 = tpu.memref_slice %arg2[%mul3A_2] : memref<819200xi32, #tpu.memory_space<hbm>> -> memref<25600xi32, #tpu.memory_space<hbm>>
      tpu.wait_dma2 semaphore(%run_scoped3A : memref<!tpu.dma_semaphore, #tpu.memory_space<semaphore_mem>>) src(%dma_wait3A_201 : memref<25600xi32, #tpu.memory_space<hbm>>) dst(%arg5 : memref<25600xi32, #tpu.memory_space<vmem>>)
      tpu.yield
    }) : () -> ()
    %dma_start3A = arith.constant 0 : i32
    %dma_start3A_3 = arith.constant 0 : i32
    %dma_start3A_4 = arith.constant 0 : i32
    %dma_start3A_5 = tpu.memref_slice %arg6[%dma_start3A, %dma_start3A_3, %dma_start3A_4] : memref<4x256x64xf32, #tpu.memory_space<vmem>> -> memref<1x256x64xf32, #tpu.memory_space<vmem>>
    %dma_start3A_6 = tpu.memref_squeeze %dma_start3A_5 : memref<1x256x64xf32, #tpu.memory_space<vmem>> -> memref<256x64xf32, #tpu.memory_space<vmem>>
    %dma_start3A_7 = arith.constant 0 : i32
    %dma_start3A_8 = tpu.memref_slice %arg5[%dma_start3A_7] : memref<25600xi32, #tpu.memory_space<vmem>> -> memref<256xi32, #tpu.memory_space<vmem>>
    %dma_start3A_9 = arith.constant 0 : i32
    %dma_start3A_10 = arith.constant 0 : i32
    %dma_start3A_11 = tpu.memref_slice %arg3[%dma_start3A_9, %dma_start3A_10] : memref<1000000x64xf32, #tpu.memory_space<hbm>> -> memref<1000000x64xf32, #tpu.memory_space<hbm>>
    tpu.enqueue_indirect_dma source(%dma_start3A_11 : memref<1000000x64xf32, #tpu.memory_space<hbm>>) target(%dma_start3A_6 : memref<256x64xf32, #tpu.memory_space<vmem>>) offsets(%dma_start3A_8 : memref<256xi32, #tpu.memory_space<vmem>>) semaphore(%arg7 : memref<!tpu.dma_semaphore, #tpu.memory_space<semaphore_mem>>)
    %dma_start3A_12 = arith.constant 1 : i32
    %dma_start3A_13 = arith.constant 0 : i32
    %dma_start3A_14 = arith.constant 0 : i32
    %dma_start3A_15 = tpu.memref_slice %arg6[%dma_start3A_12, %dma_start3A_13, %dma_start3A_14] : memref<4x256x64xf32, #tpu.memory_space<vmem>> -> memref<1x256x64xf32, #tpu.memory_space<vmem>>
    %dma_start3A_16 = tpu.memref_squeeze %dma_start3A_15 : memref<1x256x64xf32, #tpu.memory_space<vmem>> -> memref<256x64xf32, #tpu.memory_space<vmem>>
    %dma_start3A_17 = arith.constant 256 : i32
    %dma_start3A_18 = tpu.memref_slice %arg5[%dma_start3A_17] : memref<25600xi32, #tpu.memory_space<vmem>> -> memref<256xi32, #tpu.memory_space<vmem>>
    %dma_start3A_19 = arith.constant 0 : i32
    %dma_start3A_20 = arith.constant 0 : i32
    %dma_start3A_21 = tpu.memref_slice %arg3[%dma_start3A_19, %dma_start3A_20] : memref<1000000x64xf32, #tpu.memory_space<hbm>> -> memref<1000000x64xf32, #tpu.memory_space<hbm>>
    tpu.enqueue_indirect_dma source(%dma_start3A_21 : memref<1000000x64xf32, #tpu.memory_space<hbm>>) target(%dma_start3A_16 : memref<256x64xf32, #tpu.memory_space<vmem>>) offsets(%dma_start3A_18 : memref<256xi32, #tpu.memory_space<vmem>>) semaphore(%arg8 : memref<!tpu.dma_semaphore, #tpu.memory_space<semaphore_mem>>)
    %dma_start3A_22 = arith.constant 2 : i32
    %dma_start3A_23 = arith.constant 0 : i32
    %dma_start3A_24 = arith.constant 0 : i32
    %dma_start3A_25 = tpu.memref_slice %arg6[%dma_start3A_22, %dma_start3A_23, %dma_start3A_24] : memref<4x256x64xf32, #tpu.memory_space<vmem>> -> memref<1x256x64xf32, #tpu.memory_space<vmem>>
    %dma_start3A_26 = tpu.memref_squeeze %dma_start3A_25 : memref<1x256x64xf32, #tpu.memory_space<vmem>> -> memref<256x64xf32, #tpu.memory_space<vmem>>
    %dma_start3A_27 = arith.constant 512 : i32
    %dma_start3A_28 = tpu.memref_slice %arg5[%dma_start3A_27] : memref<25600xi32, #tpu.memory_space<vmem>> -> memref<256xi32, #tpu.memory_space<vmem>>
    %dma_start3A_29 = arith.constant 0 : i32
    %dma_start3A_30 = arith.constant 0 : i32
    %dma_start3A_31 = tpu.memref_slice %arg3[%dma_start3A_29, %dma_start3A_30] : memref<1000000x64xf32, #tpu.memory_space<hbm>> -> memref<1000000x64xf32, #tpu.memory_space<hbm>>
    tpu.enqueue_indirect_dma source(%dma_start3A_31 : memref<1000000x64xf32, #tpu.memory_space<hbm>>) target(%dma_start3A_26 : memref<256x64xf32, #tpu.memory_space<vmem>>) offsets(%dma_start3A_28 : memref<256xi32, #tpu.memory_space<vmem>>) semaphore(%arg9 : memref<!tpu.dma_semaphore, #tpu.memory_space<semaphore_mem>>)
    %dma_start3A_32 = arith.constant 3 : i32
    %dma_start3A_33 = arith.constant 0 : i32
    %dma_start3A_34 = arith.constant 0 : i32
    %dma_start3A_35 = tpu.memref_slice %arg6[%dma_start3A_32, %dma_start3A_33, %dma_start3A_34] : memref<4x256x64xf32, #tpu.memory_space<vmem>> -> memref<1x256x64xf32, #tpu.memory_space<vmem>>
    %dma_start3A_36 = tpu.memref_squeeze %dma_start3A_35 : memref<1x256x64xf32, #tpu.memory_space<vmem>> -> memref<256x64xf32, #tpu.memory_space<vmem>>
    %dma_start3A_37 = arith.constant 768 : i32
    %dma_start3A_38 = tpu.memref_slice %arg5[%dma_start3A_37] : memref<25600xi32, #tpu.memory_space<vmem>> -> memref<256xi32, #tpu.memory_space<vmem>>
    %dma_start3A_39 = arith.constant 0 : i32
    %dma_start3A_40 = arith.constant 0 : i32
    %dma_start3A_41 = tpu.memref_slice %arg3[%dma_start3A_39, %dma_start3A_40] : memref<1000000x64xf32, #tpu.memory_space<hbm>> -> memref<1000000x64xf32, #tpu.memory_space<hbm>>
    tpu.enqueue_indirect_dma source(%dma_start3A_41 : memref<1000000x64xf32, #tpu.memory_space<hbm>>) target(%dma_start3A_36 : memref<256x64xf32, #tpu.memory_space<vmem>>) offsets(%dma_start3A_38 : memref<256xi32, #tpu.memory_space<vmem>>) semaphore(%arg10 : memref<!tpu.dma_semaphore, #tpu.memory_space<semaphore_mem>>)
    %scan3A = arith.constant 0 : i32
    %scan3A_42 = arith.constant 0 : i32
    %scan3A_43 = arith.constant 24 : i32
    %scan3A_44 = arith.addi %scan3A_42, %scan3A_43 : i32
    %scan3A_45 = arith.constant 1 : i32
    scf.for %scan3A_198 = %scan3A_42 to %scan3A_44 step %scan3A_45  : i32 {
      %mul3A_199 = arith.constant 4 : i32
      %mul3A_200 = arith.muli %scan3A_198, %mul3A_199 : i32
      %add3A_201 = arith.constant 0 : i32
      %add3A_202 = arith.addi %mul3A_200, %add3A_201 : i32
      %dma_wait3A_203 = arith.constant 0 : i32
      %dma_wait3A_204 = arith.constant 0 : i32
      %dma_wait3A_205 = arith.constant 0 : i32
      %dma_wait3A_206 = tpu.memref_slice %arg6[%dma_wait3A_203, %dma_wait3A_204, %dma_wait3A_205] : memref<4x256x64xf32, #tpu.memory_space<vmem>> -> memref<1x256x64xf32, #tpu.memory_space<vmem>>
      %dma_wait3A_207 = tpu.memref_squeeze %dma_wait3A_206 : memref<1x256x64xf32, #tpu.memory_space<vmem>> -> memref<256x64xf32, #tpu.memory_space<vmem>>
      %dma_wait3A_208 = arith.constant 0 : i32
      %dma_wait3A_209 = tpu.memref_slice %arg5[%dma_wait3A_208] : memref<25600xi32, #tpu.memory_space<vmem>> -> memref<256xi32, #tpu.memory_space<vmem>>
      %dma_wait3A_210 = arith.constant 0 : i32
      %dma_wait3A_211 = arith.constant 0 : i32
      %dma_wait3A_212 = tpu.memref_slice %arg3[%dma_wait3A_210, %dma_wait3A_211] : memref<1000000x64xf32, #tpu.memory_space<hbm>> -> memref<1000000x64xf32, #tpu.memory_space<hbm>>
      tpu.wait_indirect_dma semaphore(%arg7 : memref<!tpu.dma_semaphore, #tpu.memory_space<semaphore_mem>>) src(%dma_wait3A_212 : memref<1000000x64xf32, #tpu.memory_space<hbm>>) dst(%dma_wait3A_207 : memref<256x64xf32, #tpu.memory_space<vmem>>)
      %mul3A_213 = arith.constant 256 : i32
      %mul3A_214 = arith.muli %add3A_202, %mul3A_213 : i32
      %add3A_215 = arith.addi %mul3A_2, %mul3A_214 : i32
      %dma_start3A_216 = arith.constant 0 : i32
      %dma_start3A_217 = arith.constant 0 : i32
      %dma_start3A_218 = arith.constant 0 : i32
      %dma_start3A_219 = tpu.memref_slice %arg6[%dma_start3A_216, %dma_start3A_217, %dma_start3A_218] : memref<4x256x64xf32, #tpu.memory_space<vmem>> -> memref<1x256x64xf32, #tpu.memory_space<vmem>>
      %dma_start3A_220 = tpu.memref_squeeze %dma_start3A_219 : memref<1x256x64xf32, #tpu.memory_space<vmem>> -> memref<256x64xf32, #tpu.memory_space<vmem>>
      %dma_start3A_221 = arith.constant 0 : i32
      %dma_start3A_222 = tpu.memref_slice %arg4[%add3A_215, %dma_start3A_221] : memref<819200x128xf32, #tpu.memory_space<hbm>> -> memref<256x64xf32, #tpu.memory_space<hbm>>
      %dma_start3A_223 = arith.constant 0 : i32
      %dma_start3A_224 = tpu.memref_slice %arg4[%add3A_215, %dma_start3A_223] : memref<819200x128xf32, #tpu.memory_space<hbm>> -> memref<256x64xf32, #tpu.memory_space<hbm>>
      %dma_start3A_225 = arith.constant 0 : i32
      %dma_start3A_226 = arith.constant 0 : i32
      %dma_start3A_227 = tpu.memref_slice %arg6[%dma_start3A_216, %dma_start3A_225, %dma_start3A_226] : memref<4x256x64xf32, #tpu.memory_space<vmem>> -> memref<1x256x64xf32, #tpu.memory_space<vmem>>
      %dma_start3A_228 = tpu.memref_squeeze %dma_start3A_227 : memref<1x256x64xf32, #tpu.memory_space<vmem>> -> memref<256x64xf32, #tpu.memory_space<vmem>>
      tpu.enqueue_dma source(%dma_start3A_228 : memref<256x64xf32, #tpu.memory_space<vmem>>) target(%dma_start3A_224 : memref<256x64xf32, #tpu.memory_space<hbm>>) target_semaphore(%arg11 : memref<!tpu.dma_semaphore, #tpu.memory_space<semaphore_mem>>)
      %dma_wait3A_229 = arith.constant 0 : i32
      %dma_wait3A_230 = arith.constant 0 : i32
      %dma_wait3A_231 = arith.constant 0 : i32
      %dma_wait3A_232 = tpu.memref_slice %arg6[%dma_wait3A_229, %dma_wait3A_230, %dma_wait3A_231] : memref<4x256x64xf32, #tpu.memory_space<vmem>> -> memref<1x256x64xf32, #tpu.memory_space<vmem>>
      %dma_wait3A_233 = tpu.memref_squeeze %dma_wait3A_232 : memref<1x256x64xf32, #tpu.memory_space<vmem>> -> memref<256x64xf32, #tpu.memory_space<vmem>>
      %dma_wait3A_234 = arith.constant 0 : i32
      %dma_wait3A_235 = tpu.memref_slice %arg4[%mul3A_2, %dma_wait3A_234] : memref<819200x128xf32, #tpu.memory_space<hbm>> -> memref<256x64xf32, #tpu.memory_space<hbm>>
      %dma_wait3A_236 = arith.constant 0 : i32
      %dma_wait3A_237 = tpu.memref_slice %arg4[%mul3A_2, %dma_wait3A_236] : memref<819200x128xf32, #tpu.memory_space<hbm>> -> memref<256x64xf32, #tpu.memory_space<hbm>>
      %dma_wait3A_238 = arith.constant 0 : i32
      %dma_wait3A_239 = arith.constant 0 : i32
      %dma_wait3A_240 = tpu.memref_slice %arg6[%dma_wait3A_229, %dma_wait3A_238, %dma_wait3A_239] : memref<4x256x64xf32, #tpu.memory_space<vmem>> -> memref<1x256x64xf32, #tpu.memory_space<vmem>>
      %dma_wait3A_241 = tpu.memref_squeeze %dma_wait3A_240 : memref<1x256x64xf32, #tpu.memory_space<vmem>> -> memref<256x64xf32, #tpu.memory_space<vmem>>
      tpu.wait_dma2 semaphore(%arg11 : memref<!tpu.dma_semaphore, #tpu.memory_space<semaphore_mem>>) src(%dma_wait3A_241 : memref<256x64xf32, #tpu.memory_space<vmem>>) dst(%dma_wait3A_237 : memref<256x64xf32, #tpu.memory_space<hbm>>)
      %add3A_242 = arith.constant 4 : i32
      %add3A_243 = arith.addi %add3A_202, %add3A_242 : i32
      %mul3A_244 = arith.constant 256 : i32
      %mul3A_245 = arith.muli %add3A_243, %mul3A_244 : i32
      %dma_start3A_246 = arith.constant 0 : i32
      %dma_start3A_247 = arith.constant 0 : i32
      %dma_start3A_248 = arith.constant 0 : i32
      %dma_start3A_249 = tpu.memref_slice %arg6[%dma_start3A_246, %dma_start3A_247, %dma_start3A_248] : memref<4x256x64xf32, #tpu.memory_space<vmem>> -> memref<1x256x64xf32, #tpu.memory_space<vmem>>
      %dma_start3A_250 = tpu.memref_squeeze %dma_start3A_249 : memref<1x256x64xf32, #tpu.memory_space<vmem>> -> memref<256x64xf32, #tpu.memory_space<vmem>>
      %dma_start3A_251 = tpu.memref_slice %arg5[%mul3A_245] : memref<25600xi32, #tpu.memory_space<vmem>> -> memref<256xi32, #tpu.memory_space<vmem>>
      %dma_start3A_252 = arith.constant 0 : i32
      %dma_start3A_253 = arith.constant 0 : i32
      %dma_start3A_254 = tpu.memref_slice %arg3[%dma_start3A_252, %dma_start3A_253] : memref<1000000x64xf32, #tpu.memory_space<hbm>> -> memref<1000000x64xf32, #tpu.memory_space<hbm>>
      tpu.enqueue_indirect_dma source(%dma_start3A_254 : memref<1000000x64xf32, #tpu.memory_space<hbm>>) target(%dma_start3A_250 : memref<256x64xf32, #tpu.memory_space<vmem>>) offsets(%dma_start3A_251 : memref<256xi32, #tpu.memory_space<vmem>>) semaphore(%arg7 : memref<!tpu.dma_semaphore, #tpu.memory_space<semaphore_mem>>)
      %mul3A_255 = arith.constant 4 : i32
      %mul3A_256 = arith.muli %scan3A_198, %mul3A_255 : i32
      %add3A_257 = arith.constant 1 : i32
      %add3A_258 = arith.addi %mul3A_256, %add3A_257 : i32
      %dma_wait3A_259 = arith.constant 1 : i32
      %dma_wait3A_260 = arith.constant 0 : i32
      %dma_wait3A_261 = arith.constant 0 : i32
      %dma_wait3A_262 = tpu.memref_slice %arg6[%dma_wait3A_259, %dma_wait3A_260, %dma_wait3A_261] : memref<4x256x64xf32, #tpu.memory_space<vmem>> -> memref<1x256x64xf32, #tpu.memory_space<vmem>>
      %dma_wait3A_263 = tpu.memref_squeeze %dma_wait3A_262 : memref<1x256x64xf32, #tpu.memory_space<vmem>> -> memref<256x64xf32, #tpu.memory_space<vmem>>
      %dma_wait3A_264 = arith.constant 0 : i32
      %dma_wait3A_265 = tpu.memref_slice %arg5[%dma_wait3A_264] : memref<25600xi32, #tpu.memory_space<vmem>> -> memref<256xi32, #tpu.memory_space<vmem>>
      %dma_wait3A_266 = arith.constant 0 : i32
      %dma_wait3A_267 = arith.constant 0 : i32
      %dma_wait3A_268 = tpu.memref_slice %arg3[%dma_wait3A_266, %dma_wait3A_267] : memref<1000000x64xf32, #tpu.memory_space<hbm>> -> memref<1000000x64xf32, #tpu.memory_space<hbm>>
      tpu.wait_indirect_dma semaphore(%arg8 : memref<!tpu.dma_semaphore, #tpu.memory_space<semaphore_mem>>) src(%dma_wait3A_268 : memref<1000000x64xf32, #tpu.memory_space<hbm>>) dst(%dma_wait3A_263 : memref<256x64xf32, #tpu.memory_space<vmem>>)
      %mul3A_269 = arith.constant 256 : i32
      %mul3A_270 = arith.muli %add3A_258, %mul3A_269 : i32
      %add3A_271 = arith.addi %mul3A_2, %mul3A_270 : i32
      %dma_start3A_272 = arith.constant 1 : i32
      %dma_start3A_273 = arith.constant 0 : i32
      %dma_start3A_274 = arith.constant 0 : i32
      %dma_start3A_275 = tpu.memref_slice %arg6[%dma_start3A_272, %dma_start3A_273, %dma_start3A_274] : memref<4x256x64xf32, #tpu.memory_space<vmem>> -> memref<1x256x64xf32, #tpu.memory_space<vmem>>
      %dma_start3A_276 = tpu.memref_squeeze %dma_start3A_275 : memref<1x256x64xf32, #tpu.memory_space<vmem>> -> memref<256x64xf32, #tpu.memory_space<vmem>>
      %dma_start3A_277 = arith.constant 0 : i32
      %dma_start3A_278 = tpu.memref_slice %arg4[%add3A_271, %dma_start3A_277] : memref<819200x128xf32, #tpu.memory_space<hbm>> -> memref<256x64xf32, #tpu.memory_space<hbm>>
      %dma_start3A_279 = arith.constant 0 : i32
      %dma_start3A_280 = tpu.memref_slice %arg4[%add3A_271, %dma_start3A_279] : memref<819200x128xf32, #tpu.memory_space<hbm>> -> memref<256x64xf32, #tpu.memory_space<hbm>>
      %dma_start3A_281 = arith.constant 0 : i32
      %dma_start3A_282 = arith.constant 0 : i32
      %dma_start3A_283 = tpu.memref_slice %arg6[%dma_start3A_272, %dma_start3A_281, %dma_start3A_282] : memref<4x256x64xf32, #tpu.memory_space<vmem>> -> memref<1x256x64xf32, #tpu.memory_space<vmem>>
      %dma_start3A_284 = tpu.memref_squeeze %dma_start3A_283 : memref<1x256x64xf32, #tpu.memory_space<vmem>> -> memref<256x64xf32, #tpu.memory_space<vmem>>
      tpu.enqueue_dma source(%dma_start3A_284 : memref<256x64xf32, #tpu.memory_space<vmem>>) target(%dma_start3A_280 : memref<256x64xf32, #tpu.memory_space<hbm>>) target_semaphore(%arg12 : memref<!tpu.dma_semaphore, #tpu.memory_space<semaphore_mem>>)
      %dma_wait3A_285 = arith.constant 1 : i32
      %dma_wait3A_286 = arith.constant 0 : i32
      %dma_wait3A_287 = arith.constant 0 : i32
      %dma_wait3A_288 = tpu.memref_slice %arg6[%dma_wait3A_285, %dma_wait3A_286, %dma_wait3A_287] : memref<4x256x64xf32, #tpu.memory_space<vmem>> -> memref<1x256x64xf32, #tpu.memory_space<vmem>>
      %dma_wait3A_289 = tpu.memref_squeeze %dma_wait3A_288 : memref<1x256x64xf32, #tpu.memory_space<vmem>> -> memref<256x64xf32, #tpu.memory_space<vmem>>
      %dma_wait3A_290 = arith.constant 0 : i32
      %dma_wait3A_291 = tpu.memref_slice %arg4[%mul3A_2, %dma_wait3A_290] : memref<819200x128xf32, #tpu.memory_space<hbm>> -> memref<256x64xf32, #tpu.memory_space<hbm>>
      %dma_wait3A_292 = arith.constant 0 : i32
      %dma_wait3A_293 = tpu.memref_slice %arg4[%mul3A_2, %dma_wait3A_292] : memref<819200x128xf32, #tpu.memory_space<hbm>> -> memref<256x64xf32, #tpu.memory_space<hbm>>
      %dma_wait3A_294 = arith.constant 0 : i32
      %dma_wait3A_295 = arith.constant 0 : i32
      %dma_wait3A_296 = tpu.memref_slice %arg6[%dma_wait3A_285, %dma_wait3A_294, %dma_wait3A_295] : memref<4x256x64xf32, #tpu.memory_space<vmem>> -> memref<1x256x64xf32, #tpu.memory_space<vmem>>
      %dma_wait3A_297 = tpu.memref_squeeze %dma_wait3A_296 : memref<1x256x64xf32, #tpu.memory_space<vmem>> -> memref<256x64xf32, #tpu.memory_space<vmem>>
      tpu.wait_dma2 semaphore(%arg12 : memref<!tpu.dma_semaphore, #tpu.memory_space<semaphore_mem>>) src(%dma_wait3A_297 : memref<256x64xf32, #tpu.memory_space<vmem>>) dst(%dma_wait3A_293 : memref<256x64xf32, #tpu.memory_space<hbm>>)
      %add3A_298 = arith.constant 4 : i32
      %add3A_299 = arith.addi %add3A_258, %add3A_298 : i32
      %mul3A_300 = arith.constant 256 : i32
      %mul3A_301 = arith.muli %add3A_299, %mul3A_300 : i32
      %dma_start3A_302 = arith.constant 1 : i32
      %dma_start3A_303 = arith.constant 0 : i32
      %dma_start3A_304 = arith.constant 0 : i32
      %dma_start3A_305 = tpu.memref_slice %arg6[%dma_start3A_302, %dma_start3A_303, %dma_start3A_304] : memref<4x256x64xf32, #tpu.memory_space<vmem>> -> memref<1x256x64xf32, #tpu.memory_space<vmem>>
      %dma_start3A_306 = tpu.memref_squeeze %dma_start3A_305 : memref<1x256x64xf32, #tpu.memory_space<vmem>> -> memref<256x64xf32, #tpu.memory_space<vmem>>
      %dma_start3A_307 = tpu.memref_slice %arg5[%mul3A_301] : memref<25600xi32, #tpu.memory_space<vmem>> -> memref<256xi32, #tpu.memory_space<vmem>>
      %dma_start3A_308 = arith.constant 0 : i32
      %dma_start3A_309 = arith.constant 0 : i32
      %dma_start3A_310 = tpu.memref_slice %arg3[%dma_start3A_308, %dma_start3A_309] : memref<1000000x64xf32, #tpu.memory_space<hbm>> -> memref<1000000x64xf32, #tpu.memory_space<hbm>>
      tpu.enqueue_indirect_dma source(%dma_start3A_310 : memref<1000000x64xf32, #tpu.memory_space<hbm>>) target(%dma_start3A_306 : memref<256x64xf32, #tpu.memory_space<vmem>>) offsets(%dma_start3A_307 : memref<256xi32, #tpu.memory_space<vmem>>) semaphore(%arg8 : memref<!tpu.dma_semaphore, #tpu.memory_space<semaphore_mem>>)
      %mul3A_311 = arith.constant 4 : i32
      %mul3A_312 = arith.muli %scan3A_198, %mul3A_311 : i32
      %add3A_313 = arith.constant 2 : i32
      %add3A_314 = arith.addi %mul3A_312, %add3A_313 : i32
      %dma_wait3A_315 = arith.constant 2 : i32
      %dma_wait3A_316 = arith.constant 0 : i32
      %dma_wait3A_317 = arith.constant 0 : i32
      %dma_wait3A_318 = tpu.memref_slice %arg6[%dma_wait3A_315, %dma_wait3A_316, %dma_wait3A_317] : memref<4x256x64xf32, #tpu.memory_space<vmem>> -> memref<1x256x64xf32, #tpu.memory_space<vmem>>
      %dma_wait3A_319 = tpu.memref_squeeze %dma_wait3A_318 : memref<1x256x64xf32, #tpu.memory_space<vmem>> -> memref<256x64xf32, #tpu.memory_space<vmem>>
      %dma_wait3A_320 = arith.constant 0 : i32
      %dma_wait3A_321 = tpu.memref_slice %arg5[%dma_wait3A_320] : memref<25600xi32, #tpu.memory_space<vmem>> -> memref<256xi32, #tpu.memory_space<vmem>>
      %dma_wait3A_322 = arith.constant 0 : i32
      %dma_wait3A_323 = arith.constant 0 : i32
      %dma_wait3A_324 = tpu.memref_slice %arg3[%dma_wait3A_322, %dma_wait3A_323] : memref<1000000x64xf32, #tpu.memory_space<hbm>> -> memref<1000000x64xf32, #tpu.memory_space<hbm>>
      tpu.wait_indirect_dma semaphore(%arg9 : memref<!tpu.dma_semaphore, #tpu.memory_space<semaphore_mem>>) src(%dma_wait3A_324 : memref<1000000x64xf32, #tpu.memory_space<hbm>>) dst(%dma_wait3A_319 : memref<256x64xf32, #tpu.memory_space<vmem>>)
      %mul3A_325 = arith.constant 256 : i32
      %mul3A_326 = arith.muli %add3A_314, %mul3A_325 : i32
      %add3A_327 = arith.addi %mul3A_2, %mul3A_326 : i32
      %dma_start3A_328 = arith.constant 2 : i32
      %dma_start3A_329 = arith.constant 0 : i32
      %dma_start3A_330 = arith.constant 0 : i32
      %dma_start3A_331 = tpu.memref_slice %arg6[%dma_start3A_328, %dma_start3A_329, %dma_start3A_330] : memref<4x256x64xf32, #tpu.memory_space<vmem>> -> memref<1x256x64xf32, #tpu.memory_space<vmem>>
      %dma_start3A_332 = tpu.memref_squeeze %dma_start3A_331 : memref<1x256x64xf32, #tpu.memory_space<vmem>> -> memref<256x64xf32, #tpu.memory_space<vmem>>
      %dma_start3A_333 = arith.constant 0 : i32
      %dma_start3A_334 = tpu.memref_slice %arg4[%add3A_327, %dma_start3A_333] : memref<819200x128xf32, #tpu.memory_space<hbm>> -> memref<256x64xf32, #tpu.memory_space<hbm>>
      %dma_start3A_335 = arith.constant 0 : i32
      %dma_start3A_336 = tpu.memref_slice %arg4[%add3A_327, %dma_start3A_335] : memref<819200x128xf32, #tpu.memory_space<hbm>> -> memref<256x64xf32, #tpu.memory_space<hbm>>
      %dma_start3A_337 = arith.constant 0 : i32
      %dma_start3A_338 = arith.constant 0 : i32
      %dma_start3A_339 = tpu.memref_slice %arg6[%dma_start3A_328, %dma_start3A_337, %dma_start3A_338] : memref<4x256x64xf32, #tpu.memory_space<vmem>> -> memref<1x256x64xf32, #tpu.memory_space<vmem>>
      %dma_start3A_340 = tpu.memref_squeeze %dma_start3A_339 : memref<1x256x64xf32, #tpu.memory_space<vmem>> -> memref<256x64xf32, #tpu.memory_space<vmem>>
      tpu.enqueue_dma source(%dma_start3A_340 : memref<256x64xf32, #tpu.memory_space<vmem>>) target(%dma_start3A_336 : memref<256x64xf32, #tpu.memory_space<hbm>>) target_semaphore(%arg13 : memref<!tpu.dma_semaphore, #tpu.memory_space<semaphore_mem>>)
      %dma_wait3A_341 = arith.constant 2 : i32
      %dma_wait3A_342 = arith.constant 0 : i32
      %dma_wait3A_343 = arith.constant 0 : i32
      %dma_wait3A_344 = tpu.memref_slice %arg6[%dma_wait3A_341, %dma_wait3A_342, %dma_wait3A_343] : memref<4x256x64xf32, #tpu.memory_space<vmem>> -> memref<1x256x64xf32, #tpu.memory_space<vmem>>
      %dma_wait3A_345 = tpu.memref_squeeze %dma_wait3A_344 : memref<1x256x64xf32, #tpu.memory_space<vmem>> -> memref<256x64xf32, #tpu.memory_space<vmem>>
      %dma_wait3A_346 = arith.constant 0 : i32
      %dma_wait3A_347 = tpu.memref_slice %arg4[%mul3A_2, %dma_wait3A_346] : memref<819200x128xf32, #tpu.memory_space<hbm>> -> memref<256x64xf32, #tpu.memory_space<hbm>>
      %dma_wait3A_348 = arith.constant 0 : i32
      %dma_wait3A_349 = tpu.memref_slice %arg4[%mul3A_2, %dma_wait3A_348] : memref<819200x128xf32, #tpu.memory_space<hbm>> -> memref<256x64xf32, #tpu.memory_space<hbm>>
      %dma_wait3A_350 = arith.constant 0 : i32
      %dma_wait3A_351 = arith.constant 0 : i32
      %dma_wait3A_352 = tpu.memref_slice %arg6[%dma_wait3A_341, %dma_wait3A_350, %dma_wait3A_351] : memref<4x256x64xf32, #tpu.memory_space<vmem>> -> memref<1x256x64xf32, #tpu.memory_space<vmem>>
      %dma_wait3A_353 = tpu.memref_squeeze %dma_wait3A_352 : memref<1x256x64xf32, #tpu.memory_space<vmem>> -> memref<256x64xf32, #tpu.memory_space<vmem>>
      tpu.wait_dma2 semaphore(%arg13 : memref<!tpu.dma_semaphore, #tpu.memory_space<semaphore_mem>>) src(%dma_wait3A_353 : memref<256x64xf32, #tpu.memory_space<vmem>>) dst(%dma_wait3A_349 : memref<256x64xf32, #tpu.memory_space<hbm>>)
      %add3A_354 = arith.constant 4 : i32
      %add3A_355 = arith.addi %add3A_314, %add3A_354 : i32
      %mul3A_356 = arith.constant 256 : i32
      %mul3A_357 = arith.muli %add3A_355, %mul3A_356 : i32
      %dma_start3A_358 = arith.constant 2 : i32
      %dma_start3A_359 = arith.constant 0 : i32
      %dma_start3A_360 = arith.constant 0 : i32
      %dma_start3A_361 = tpu.memref_slice %arg6[%dma_start3A_358, %dma_start3A_359, %dma_start3A_360] : memref<4x256x64xf32, #tpu.memory_space<vmem>> -> memref<1x256x64xf32, #tpu.memory_space<vmem>>
      %dma_start3A_362 = tpu.memref_squeeze %dma_start3A_361 : memref<1x256x64xf32, #tpu.memory_space<vmem>> -> memref<256x64xf32, #tpu.memory_space<vmem>>
      %dma_start3A_363 = tpu.memref_slice %arg5[%mul3A_357] : memref<25600xi32, #tpu.memory_space<vmem>> -> memref<256xi32, #tpu.memory_space<vmem>>
      %dma_start3A_364 = arith.constant 0 : i32
      %dma_start3A_365 = arith.constant 0 : i32
      %dma_start3A_366 = tpu.memref_slice %arg3[%dma_start3A_364, %dma_start3A_365] : memref<1000000x64xf32, #tpu.memory_space<hbm>> -> memref<1000000x64xf32, #tpu.memory_space<hbm>>
      tpu.enqueue_indirect_dma source(%dma_start3A_366 : memref<1000000x64xf32, #tpu.memory_space<hbm>>) target(%dma_start3A_362 : memref<256x64xf32, #tpu.memory_space<vmem>>) offsets(%dma_start3A_363 : memref<256xi32, #tpu.memory_space<vmem>>) semaphore(%arg9 : memref<!tpu.dma_semaphore, #tpu.memory_space<semaphore_mem>>)
      %mul3A_367 = arith.constant 4 : i32
      %mul3A_368 = arith.muli %scan3A_198, %mul3A_367 : i32
      %add3A_369 = arith.constant 3 : i32
      %add3A_370 = arith.addi %mul3A_368, %add3A_369 : i32
      %dma_wait3A_371 = arith.constant 3 : i32
      %dma_wait3A_372 = arith.constant 0 : i32
      %dma_wait3A_373 = arith.constant 0 : i32
      %dma_wait3A_374 = tpu.memref_slice %arg6[%dma_wait3A_371, %dma_wait3A_372, %dma_wait3A_373] : memref<4x256x64xf32, #tpu.memory_space<vmem>> -> memref<1x256x64xf32, #tpu.memory_space<vmem>>
      %dma_wait3A_375 = tpu.memref_squeeze %dma_wait3A_374 : memref<1x256x64xf32, #tpu.memory_space<vmem>> -> memref<256x64xf32, #tpu.memory_space<vmem>>
      %dma_wait3A_376 = arith.constant 0 : i32
      %dma_wait3A_377 = tpu.memref_slice %arg5[%dma_wait3A_376] : memref<25600xi32, #tpu.memory_space<vmem>> -> memref<256xi32, #tpu.memory_space<vmem>>
      %dma_wait3A_378 = arith.constant 0 : i32
      %dma_wait3A_379 = arith.constant 0 : i32
      %dma_wait3A_380 = tpu.memref_slice %arg3[%dma_wait3A_378, %dma_wait3A_379] : memref<1000000x64xf32, #tpu.memory_space<hbm>> -> memref<1000000x64xf32, #tpu.memory_space<hbm>>
      tpu.wait_indirect_dma semaphore(%arg10 : memref<!tpu.dma_semaphore, #tpu.memory_space<semaphore_mem>>) src(%dma_wait3A_380 : memref<1000000x64xf32, #tpu.memory_space<hbm>>) dst(%dma_wait3A_375 : memref<256x64xf32, #tpu.memory_space<vmem>>)
      %mul3A_381 = arith.constant 256 : i32
      %mul3A_382 = arith.muli %add3A_370, %mul3A_381 : i32
      %add3A_383 = arith.addi %mul3A_2, %mul3A_382 : i32
      %dma_start3A_384 = arith.constant 3 : i32
      %dma_start3A_385 = arith.constant 0 : i32
      %dma_start3A_386 = arith.constant 0 : i32
      %dma_start3A_387 = tpu.memref_slice %arg6[%dma_start3A_384, %dma_start3A_385, %dma_start3A_386] : memref<4x256x64xf32, #tpu.memory_space<vmem>> -> memref<1x256x64xf32, #tpu.memory_space<vmem>>
      %dma_start3A_388 = tpu.memref_squeeze %dma_start3A_387 : memref<1x256x64xf32, #tpu.memory_space<vmem>> -> memref<256x64xf32, #tpu.memory_space<vmem>>
      %dma_start3A_389 = arith.constant 0 : i32
      %dma_start3A_390 = tpu.memref_slice %arg4[%add3A_383, %dma_start3A_389] : memref<819200x128xf32, #tpu.memory_space<hbm>> -> memref<256x64xf32, #tpu.memory_space<hbm>>
      %dma_start3A_391 = arith.constant 0 : i32
      %dma_start3A_392 = tpu.memref_slice %arg4[%add3A_383, %dma_start3A_391] : memref<819200x128xf32, #tpu.memory_space<hbm>> -> memref<256x64xf32, #tpu.memory_space<hbm>>
      %dma_start3A_393 = arith.constant 0 : i32
      %dma_start3A_394 = arith.constant 0 : i32
      %dma_start3A_395 = tpu.memref_slice %arg6[%dma_start3A_384, %dma_start3A_393, %dma_start3A_394] : memref<4x256x64xf32, #tpu.memory_space<vmem>> -> memref<1x256x64xf32, #tpu.memory_space<vmem>>
      %dma_start3A_396 = tpu.memref_squeeze %dma_start3A_395 : memref<1x256x64xf32, #tpu.memory_space<vmem>> -> memref<256x64xf32, #tpu.memory_space<vmem>>
      tpu.enqueue_dma source(%dma_start3A_396 : memref<256x64xf32, #tpu.memory_space<vmem>>) target(%dma_start3A_392 : memref<256x64xf32, #tpu.memory_space<hbm>>) target_semaphore(%arg14 : memref<!tpu.dma_semaphore, #tpu.memory_space<semaphore_mem>>)
      %dma_wait3A_397 = arith.constant 3 : i32
      %dma_wait3A_398 = arith.constant 0 : i32
      %dma_wait3A_399 = arith.constant 0 : i32
      %dma_wait3A_400 = tpu.memref_slice %arg6[%dma_wait3A_397, %dma_wait3A_398, %dma_wait3A_399] : memref<4x256x64xf32, #tpu.memory_space<vmem>> -> memref<1x256x64xf32, #tpu.memory_space<vmem>>
      %dma_wait3A_401 = tpu.memref_squeeze %dma_wait3A_400 : memref<1x256x64xf32, #tpu.memory_space<vmem>> -> memref<256x64xf32, #tpu.memory_space<vmem>>
      %dma_wait3A_402 = arith.constant 0 : i32
      %dma_wait3A_403 = tpu.memref_slice %arg4[%mul3A_2, %dma_wait3A_402] : memref<819200x128xf32, #tpu.memory_space<hbm>> -> memref<256x64xf32, #tpu.memory_space<hbm>>
      %dma_wait3A_404 = arith.constant 0 : i32
      %dma_wait3A_405 = tpu.memref_slice %arg4[%mul3A_2, %dma_wait3A_404] : memref<819200x128xf32, #tpu.memory_space<hbm>> -> memref<256x64xf32, #tpu.memory_space<hbm>>
      %dma_wait3A_406 = arith.constant 0 : i32
      %dma_wait3A_407 = arith.constant 0 : i32
      %dma_wait3A_408 = tpu.memref_slice %arg6[%dma_wait3A_397, %dma_wait3A_406, %dma_wait3A_407] : memref<4x256x64xf32, #tpu.memory_space<vmem>> -> memref<1x256x64xf32, #tpu.memory_space<vmem>>
      %dma_wait3A_409 = tpu.memref_squeeze %dma_wait3A_408 : memref<1x256x64xf32, #tpu.memory_space<vmem>> -> memref<256x64xf32, #tpu.memory_space<vmem>>
      tpu.wait_dma2 semaphore(%arg14 : memref<!tpu.dma_semaphore, #tpu.memory_space<semaphore_mem>>) src(%dma_wait3A_409 : memref<256x64xf32, #tpu.memory_space<vmem>>) dst(%dma_wait3A_405 : memref<256x64xf32, #tpu.memory_space<hbm>>)
      %add3A_410 = arith.constant 4 : i32
      %add3A_411 = arith.addi %add3A_370, %add3A_410 : i32
      %mul3A_412 = arith.constant 256 : i32
      %mul3A_413 = arith.muli %add3A_411, %mul3A_412 : i32
      %dma_start3A_414 = arith.constant 3 : i32
      %dma_start3A_415 = arith.constant 0 : i32
      %dma_start3A_416 = arith.constant 0 : i32
      %dma_start3A_417 = tpu.memref_slice %arg6[%dma_start3A_414, %dma_start3A_415, %dma_start3A_416] : memref<4x256x64xf32, #tpu.memory_space<vmem>> -> memref<1x256x64xf32, #tpu.memory_space<vmem>>
      %dma_start3A_418 = tpu.memref_squeeze %dma_start3A_417 : memref<1x256x64xf32, #tpu.memory_space<vmem>> -> memref<256x64xf32, #tpu.memory_space<vmem>>
      %dma_start3A_419 = tpu.memref_slice %arg5[%mul3A_413] : memref<25600xi32, #tpu.memory_space<vmem>> -> memref<256xi32, #tpu.memory_space<vmem>>
      %dma_start3A_420 = arith.constant 0 : i32
      %dma_start3A_421 = arith.constant 0 : i32
      %dma_start3A_422 = tpu.memref_slice %arg3[%dma_start3A_420, %dma_start3A_421] : memref<1000000x64xf32, #tpu.memory_space<hbm>> -> memref<1000000x64xf32, #tpu.memory_space<hbm>>
      tpu.enqueue_indirect_dma source(%dma_start3A_422 : memref<1000000x64xf32, #tpu.memory_space<hbm>>) target(%dma_start3A_418 : memref<256x64xf32, #tpu.memory_space<vmem>>) offsets(%dma_start3A_419 : memref<256xi32, #tpu.memory_space<vmem>>) semaphore(%arg10 : memref<!tpu.dma_semaphore, #tpu.memory_space<semaphore_mem>>)
    }
    %scan3A_46 = arith.constant 24 : i32
    %dma_wait3A = arith.constant 0 : i32
    %dma_wait3A_47 = arith.constant 0 : i32
    %dma_wait3A_48 = arith.constant 0 : i32
    %dma_wait3A_49 = tpu.memref_slice %arg6[%dma_wait3A, %dma_wait3A_47, %dma_wait3A_48] : memref<4x256x64xf32, #tpu.memory_space<vmem>> -> memref<1x256x64xf32, #tpu.memory_space<vmem>>
    %dma_wait3A_50 = tpu.memref_squeeze %dma_wait3A_49 : memref<1x256x64xf32, #tpu.memory_space<vmem>> -> memref<256x64xf32, #tpu.memory_space<vmem>>
    %dma_wait3A_51 = arith.constant 0 : i32
    %dma_wait3A_52 = tpu.memref_slice %arg5[%dma_wait3A_51] : memref<25600xi32, #tpu.memory_space<vmem>> -> memref<256xi32, #tpu.memory_space<vmem>>
    %dma_wait3A_53 = arith.constant 0 : i32
    %dma_wait3A_54 = arith.constant 0 : i32
    %dma_wait3A_55 = tpu.memref_slice %arg3[%dma_wait3A_53, %dma_wait3A_54] : memref<1000000x64xf32, #tpu.memory_space<hbm>> -> memref<1000000x64xf32, #tpu.memory_space<hbm>>
    tpu.wait_indirect_dma semaphore(%arg7 : memref<!tpu.dma_semaphore, #tpu.memory_space<semaphore_mem>>) src(%dma_wait3A_55 : memref<1000000x64xf32, #tpu.memory_space<hbm>>) dst(%dma_wait3A_50 : memref<256x64xf32, #tpu.memory_space<vmem>>)
    %add3A_56 = arith.constant 24576 : i32
    %add3A_57 = arith.addi %mul3A_2, %add3A_56 : i32
    %dma_start3A_58 = arith.constant 0 : i32
    %dma_start3A_59 = arith.constant 0 : i32
    %dma_start3A_60 = arith.constant 0 : i32
    %dma_start3A_61 = tpu.memref_slice %arg6[%dma_start3A_58, %dma_start3A_59, %dma_start3A_60] : memref<4x256x64xf32, #tpu.memory_space<vmem>> -> memref<1x256x64xf32, #tpu.memory_space<vmem>>
    %dma_start3A_62 = tpu.memref_squeeze %dma_start3A_61 : memref<1x256x64xf32, #tpu.memory_space<vmem>> -> memref<256x64xf32, #tpu.memory_space<vmem>>
    %dma_start3A_63 = arith.constant 0 : i32
    %dma_start3A_64 = tpu.memref_slice %arg4[%add3A_57, %dma_start3A_63] : memref<819200x128xf32, #tpu.memory_space<hbm>> -> memref<256x64xf32, #tpu.memory_space<hbm>>
    %dma_start3A_65 = arith.constant 0 : i32
    %dma_start3A_66 = tpu.memref_slice %arg4[%add3A_57, %dma_start3A_65] : memref<819200x128xf32, #tpu.memory_space<hbm>> -> memref<256x64xf32, #tpu.memory_space<hbm>>
    %dma_start3A_67 = arith.constant 0 : i32
    %dma_start3A_68 = arith.constant 0 : i32
    %dma_start3A_69 = tpu.memref_slice %arg6[%dma_start3A_58, %dma_start3A_67, %dma_start3A_68] : memref<4x256x64xf32, #tpu.memory_space<vmem>> -> memref<1x256x64xf32, #tpu.memory_space<vmem>>
    %dma_start3A_70 = tpu.memref_squeeze %dma_start3A_69 : memref<1x256x64xf32, #tpu.memory_space<vmem>> -> memref<256x64xf32, #tpu.memory_space<vmem>>
    tpu.enqueue_dma source(%dma_start3A_70 : memref<256x64xf32, #tpu.memory_space<vmem>>) target(%dma_start3A_66 : memref<256x64xf32, #tpu.memory_space<hbm>>) target_semaphore(%arg11 : memref<!tpu.dma_semaphore, #tpu.memory_space<semaphore_mem>>)
    %dma_wait3A_71 = arith.constant 0 : i32
    %dma_wait3A_72 = arith.constant 0 : i32
    %dma_wait3A_73 = arith.constant 0 : i32
    %dma_wait3A_74 = tpu.memref_slice %arg6[%dma_wait3A_71, %dma_wait3A_72, %dma_wait3A_73] : memref<4x256x64xf32, #tpu.memory_space<vmem>> -> memref<1x256x64xf32, #tpu.memory_space<vmem>>
    %dma_wait3A_75 = tpu.memref_squeeze %dma_wait3A_74 : memref<1x256x64xf32, #tpu.memory_space<vmem>> -> memref<256x64xf32, #tpu.memory_space<vmem>>
    %dma_wait3A_76 = arith.constant 0 : i32
    %dma_wait3A_77 = tpu.memref_slice %arg4[%mul3A_2, %dma_wait3A_76] : memref<819200x128xf32, #tpu.memory_space<hbm>> -> memref<256x64xf32, #tpu.memory_space<hbm>>
    %dma_wait3A_78 = arith.constant 0 : i32
    %dma_wait3A_79 = tpu.memref_slice %arg4[%mul3A_2, %dma_wait3A_78] : memref<819200x128xf32, #tpu.memory_space<hbm>> -> memref<256x64xf32, #tpu.memory_space<hbm>>
    %dma_wait3A_80 = arith.constant 0 : i32
    %dma_wait3A_81 = arith.constant 0 : i32
    %dma_wait3A_82 = tpu.memref_slice %arg6[%dma_wait3A_71, %dma_wait3A_80, %dma_wait3A_81] : memref<4x256x64xf32, #tpu.memory_space<vmem>> -> memref<1x256x64xf32, #tpu.memory_space<vmem>>
    %dma_wait3A_83 = tpu.memref_squeeze %dma_wait3A_82 : memref<1x256x64xf32, #tpu.memory_space<vmem>> -> memref<256x64xf32, #tpu.memory_space<vmem>>
    tpu.wait_dma2 semaphore(%arg11 : memref<!tpu.dma_semaphore, #tpu.memory_space<semaphore_mem>>) src(%dma_wait3A_83 : memref<256x64xf32, #tpu.memory_space<vmem>>) dst(%dma_wait3A_79 : memref<256x64xf32, #tpu.memory_space<hbm>>)
    %dma_wait3A_84 = arith.constant 1 : i32
    %dma_wait3A_85 = arith.constant 0 : i32
    %dma_wait3A_86 = arith.constant 0 : i32
    %dma_wait3A_87 = tpu.memref_slice %arg6[%dma_wait3A_84, %dma_wait3A_85, %dma_wait3A_86] : memref<4x256x64xf32, #tpu.memory_space<vmem>> -> memref<1x256x64xf32, #tpu.memory_space<vmem>>
    %dma_wait3A_88 = tpu.memref_squeeze %dma_wait3A_87 : memref<1x256x64xf32, #tpu.memory_space<vmem>> -> memref<256x64xf32, #tpu.memory_space<vmem>>
    %dma_wait3A_89 = arith.constant 0 : i32
    %dma_wait3A_90 = tpu.memref_slice %arg5[%dma_wait3A_89] : memref<25600xi32, #tpu.memory_space<vmem>> -> memref<256xi32, #tpu.memory_space<vmem>>
    %dma_wait3A_91 = arith.constant 0 : i32
    %dma_wait3A_92 = arith.constant 0 : i32
    %dma_wait3A_93 = tpu.memref_slice %arg3[%dma_wait3A_91, %dma_wait3A_92] : memref<1000000x64xf32, #tpu.memory_space<hbm>> -> memref<1000000x64xf32, #tpu.memory_space<hbm>>
    tpu.wait_indirect_dma semaphore(%arg8 : memref<!tpu.dma_semaphore, #tpu.memory_space<semaphore_mem>>) src(%dma_wait3A_93 : memref<1000000x64xf32, #tpu.memory_space<hbm>>) dst(%dma_wait3A_88 : memref<256x64xf32, #tpu.memory_space<vmem>>)
    %add3A_94 = arith.constant 24832 : i32
    %add3A_95 = arith.addi %mul3A_2, %add3A_94 : i32
    %dma_start3A_96 = arith.constant 1 : i32
    %dma_start3A_97 = arith.constant 0 : i32
    %dma_start3A_98 = arith.constant 0 : i32
    %dma_start3A_99 = tpu.memref_slice %arg6[%dma_start3A_96, %dma_start3A_97, %dma_start3A_98] : memref<4x256x64xf32, #tpu.memory_space<vmem>> -> memref<1x256x64xf32, #tpu.memory_space<vmem>>
    %dma_start3A_100 = tpu.memref_squeeze %dma_start3A_99 : memref<1x256x64xf32, #tpu.memory_space<vmem>> -> memref<256x64xf32, #tpu.memory_space<vmem>>
    %dma_start3A_101 = arith.constant 0 : i32
    %dma_start3A_102 = tpu.memref_slice %arg4[%add3A_95, %dma_start3A_101] : memref<819200x128xf32, #tpu.memory_space<hbm>> -> memref<256x64xf32, #tpu.memory_space<hbm>>
    %dma_start3A_103 = arith.constant 0 : i32
    %dma_start3A_104 = tpu.memref_slice %arg4[%add3A_95, %dma_start3A_103] : memref<819200x128xf32, #tpu.memory_space<hbm>> -> memref<256x64xf32, #tpu.memory_space<hbm>>
    %dma_start3A_105 = arith.constant 0 : i32
    %dma_start3A_106 = arith.constant 0 : i32
    %dma_start3A_107 = tpu.memref_slice %arg6[%dma_start3A_96, %dma_start3A_105, %dma_start3A_106] : memref<4x256x64xf32, #tpu.memory_space<vmem>> -> memref<1x256x64xf32, #tpu.memory_space<vmem>>
    %dma_start3A_108 = tpu.memref_squeeze %dma_start3A_107 : memref<1x256x64xf32, #tpu.memory_space<vmem>> -> memref<256x64xf32, #tpu.memory_space<vmem>>
    tpu.enqueue_dma source(%dma_start3A_108 : memref<256x64xf32, #tpu.memory_space<vmem>>) target(%dma_start3A_104 : memref<256x64xf32, #tpu.memory_space<hbm>>) target_semaphore(%arg12 : memref<!tpu.dma_semaphore, #tpu.memory_space<semaphore_mem>>)
    %dma_wait3A_109 = arith.constant 1 : i32
    %dma_wait3A_110 = arith.constant 0 : i32
    %dma_wait3A_111 = arith.constant 0 : i32
    %dma_wait3A_112 = tpu.memref_slice %arg6[%dma_wait3A_109, %dma_wait3A_110, %dma_wait3A_111] : memref<4x256x64xf32, #tpu.memory_space<vmem>> -> memref<1x256x64xf32, #tpu.memory_space<vmem>>
    %dma_wait3A_113 = tpu.memref_squeeze %dma_wait3A_112 : memref<1x256x64xf32, #tpu.memory_space<vmem>> -> memref<256x64xf32, #tpu.memory_space<vmem>>
    %dma_wait3A_114 = arith.constant 0 : i32
    %dma_wait3A_115 = tpu.memref_slice %arg4[%mul3A_2, %dma_wait3A_114] : memref<819200x128xf32, #tpu.memory_space<hbm>> -> memref<256x64xf32, #tpu.memory_space<hbm>>
    %dma_wait3A_116 = arith.constant 0 : i32
    %dma_wait3A_117 = tpu.memref_slice %arg4[%mul3A_2, %dma_wait3A_116] : memref<819200x128xf32, #tpu.memory_space<hbm>> -> memref<256x64xf32, #tpu.memory_space<hbm>>
    %dma_wait3A_118 = arith.constant 0 : i32
    %dma_wait3A_119 = arith.constant 0 : i32
    %dma_wait3A_120 = tpu.memref_slice %arg6[%dma_wait3A_109, %dma_wait3A_118, %dma_wait3A_119] : memref<4x256x64xf32, #tpu.memory_space<vmem>> -> memref<1x256x64xf32, #tpu.memory_space<vmem>>
    %dma_wait3A_121 = tpu.memref_squeeze %dma_wait3A_120 : memref<1x256x64xf32, #tpu.memory_space<vmem>> -> memref<256x64xf32, #tpu.memory_space<vmem>>
    tpu.wait_dma2 semaphore(%arg12 : memref<!tpu.dma_semaphore, #tpu.memory_space<semaphore_mem>>) src(%dma_wait3A_121 : memref<256x64xf32, #tpu.memory_space<vmem>>) dst(%dma_wait3A_117 : memref<256x64xf32, #tpu.memory_space<hbm>>)
    %dma_wait3A_122 = arith.constant 2 : i32
    %dma_wait3A_123 = arith.constant 0 : i32
    %dma_wait3A_124 = arith.constant 0 : i32
    %dma_wait3A_125 = tpu.memref_slice %arg6[%dma_wait3A_122, %dma_wait3A_123, %dma_wait3A_124] : memref<4x256x64xf32, #tpu.memory_space<vmem>> -> memref<1x256x64xf32, #tpu.memory_space<vmem>>
    %dma_wait3A_126 = tpu.memref_squeeze %dma_wait3A_125 : memref<1x256x64xf32, #tpu.memory_space<vmem>> -> memref<256x64xf32, #tpu.memory_space<vmem>>
    %dma_wait3A_127 = arith.constant 0 : i32
    %dma_wait3A_128 = tpu.memref_slice %arg5[%dma_wait3A_127] : memref<25600xi32, #tpu.memory_space<vmem>> -> memref<256xi32, #tpu.memory_space<vmem>>
    %dma_wait3A_129 = arith.constant 0 : i32
    %dma_wait3A_130 = arith.constant 0 : i32
    %dma_wait3A_131 = tpu.memref_slice %arg3[%dma_wait3A_129, %dma_wait3A_130] : memref<1000000x64xf32, #tpu.memory_space<hbm>> -> memref<1000000x64xf32, #tpu.memory_space<hbm>>
    tpu.wait_indirect_dma semaphore(%arg9 : memref<!tpu.dma_semaphore, #tpu.memory_space<semaphore_mem>>) src(%dma_wait3A_131 : memref<1000000x64xf32, #tpu.memory_space<hbm>>) dst(%dma_wait3A_126 : memref<256x64xf32, #tpu.memory_space<vmem>>)
    %add3A_132 = arith.constant 25088 : i32
    %add3A_133 = arith.addi %mul3A_2, %add3A_132 : i32
    %dma_start3A_134 = arith.constant 2 : i32
    %dma_start3A_135 = arith.constant 0 : i32
    %dma_start3A_136 = arith.constant 0 : i32
    %dma_start3A_137 = tpu.memref_slice %arg6[%dma_start3A_134, %dma_start3A_135, %dma_start3A_136] : memref<4x256x64xf32, #tpu.memory_space<vmem>> -> memref<1x256x64xf32, #tpu.memory_space<vmem>>
    %dma_start3A_138 = tpu.memref_squeeze %dma_start3A_137 : memref<1x256x64xf32, #tpu.memory_space<vmem>> -> memref<256x64xf32, #tpu.memory_space<vmem>>
    %dma_start3A_139 = arith.constant 0 : i32
    %dma_start3A_140 = tpu.memref_slice %arg4[%add3A_133, %dma_start3A_139] : memref<819200x128xf32, #tpu.memory_space<hbm>> -> memref<256x64xf32, #tpu.memory_space<hbm>>
    %dma_start3A_141 = arith.constant 0 : i32
    %dma_start3A_142 = tpu.memref_slice %arg4[%add3A_133, %dma_start3A_141] : memref<819200x128xf32, #tpu.memory_space<hbm>> -> memref<256x64xf32, #tpu.memory_space<hbm>>
    %dma_start3A_143 = arith.constant 0 : i32
    %dma_start3A_144 = arith.constant 0 : i32
    %dma_start3A_145 = tpu.memref_slice %arg6[%dma_start3A_134, %dma_start3A_143, %dma_start3A_144] : memref<4x256x64xf32, #tpu.memory_space<vmem>> -> memref<1x256x64xf32, #tpu.memory_space<vmem>>
    %dma_start3A_146 = tpu.memref_squeeze %dma_start3A_145 : memref<1x256x64xf32, #tpu.memory_space<vmem>> -> memref<256x64xf32, #tpu.memory_space<vmem>>
    tpu.enqueue_dma source(%dma_start3A_146 : memref<256x64xf32, #tpu.memory_space<vmem>>) target(%dma_start3A_142 : memref<256x64xf32, #tpu.memory_space<hbm>>) target_semaphore(%arg13 : memref<!tpu.dma_semaphore, #tpu.memory_space<semaphore_mem>>)
    %dma_wait3A_147 = arith.constant 2 : i32
    %dma_wait3A_148 = arith.constant 0 : i32
    %dma_wait3A_149 = arith.constant 0 : i32
    %dma_wait3A_150 = tpu.memref_slice %arg6[%dma_wait3A_147, %dma_wait3A_148, %dma_wait3A_149] : memref<4x256x64xf32, #tpu.memory_space<vmem>> -> memref<1x256x64xf32, #tpu.memory_space<vmem>>
    %dma_wait3A_151 = tpu.memref_squeeze %dma_wait3A_150 : memref<1x256x64xf32, #tpu.memory_space<vmem>> -> memref<256x64xf32, #tpu.memory_space<vmem>>
    %dma_wait3A_152 = arith.constant 0 : i32
    %dma_wait3A_153 = tpu.memref_slice %arg4[%mul3A_2, %dma_wait3A_152] : memref<819200x128xf32, #tpu.memory_space<hbm>> -> memref<256x64xf32, #tpu.memory_space<hbm>>
    %dma_wait3A_154 = arith.constant 0 : i32
    %dma_wait3A_155 = tpu.memref_slice %arg4[%mul3A_2, %dma_wait3A_154] : memref<819200x128xf32, #tpu.memory_space<hbm>> -> memref<256x64xf32, #tpu.memory_space<hbm>>
    %dma_wait3A_156 = arith.constant 0 : i32
    %dma_wait3A_157 = arith.constant 0 : i32
    %dma_wait3A_158 = tpu.memref_slice %arg6[%dma_wait3A_147, %dma_wait3A_156, %dma_wait3A_157] : memref<4x256x64xf32, #tpu.memory_space<vmem>> -> memref<1x256x64xf32, #tpu.memory_space<vmem>>
    %dma_wait3A_159 = tpu.memref_squeeze %dma_wait3A_158 : memref<1x256x64xf32, #tpu.memory_space<vmem>> -> memref<256x64xf32, #tpu.memory_space<vmem>>
    tpu.wait_dma2 semaphore(%arg13 : memref<!tpu.dma_semaphore, #tpu.memory_space<semaphore_mem>>) src(%dma_wait3A_159 : memref<256x64xf32, #tpu.memory_space<vmem>>) dst(%dma_wait3A_155 : memref<256x64xf32, #tpu.memory_space<hbm>>)
    %dma_wait3A_160 = arith.constant 3 : i32
    %dma_wait3A_161 = arith.constant 0 : i32
    %dma_wait3A_162 = arith.constant 0 : i32
    %dma_wait3A_163 = tpu.memref_slice %arg6[%dma_wait3A_160, %dma_wait3A_161, %dma_wait3A_162] : memref<4x256x64xf32, #tpu.memory_space<vmem>> -> memref<1x256x64xf32, #tpu.memory_space<vmem>>
    %dma_wait3A_164 = tpu.memref_squeeze %dma_wait3A_163 : memref<1x256x64xf32, #tpu.memory_space<vmem>> -> memref<256x64xf32, #tpu.memory_space<vmem>>
    %dma_wait3A_165 = arith.constant 0 : i32
    %dma_wait3A_166 = tpu.memref_slice %arg5[%dma_wait3A_165] : memref<25600xi32, #tpu.memory_space<vmem>> -> memref<256xi32, #tpu.memory_space<vmem>>
    %dma_wait3A_167 = arith.constant 0 : i32
    %dma_wait3A_168 = arith.constant 0 : i32
    %dma_wait3A_169 = tpu.memref_slice %arg3[%dma_wait3A_167, %dma_wait3A_168] : memref<1000000x64xf32, #tpu.memory_space<hbm>> -> memref<1000000x64xf32, #tpu.memory_space<hbm>>
    tpu.wait_indirect_dma semaphore(%arg10 : memref<!tpu.dma_semaphore, #tpu.memory_space<semaphore_mem>>) src(%dma_wait3A_169 : memref<1000000x64xf32, #tpu.memory_space<hbm>>) dst(%dma_wait3A_164 : memref<256x64xf32, #tpu.memory_space<vmem>>)
    %add3A_170 = arith.constant 25344 : i32
    %add3A_171 = arith.addi %mul3A_2, %add3A_170 : i32
    %dma_start3A_172 = arith.constant 3 : i32
    %dma_start3A_173 = arith.constant 0 : i32
    %dma_start3A_174 = arith.constant 0 : i32
    %dma_start3A_175 = tpu.memref_slice %arg6[%dma_start3A_172, %dma_start3A_173, %dma_start3A_174] : memref<4x256x64xf32, #tpu.memory_space<vmem>> -> memref<1x256x64xf32, #tpu.memory_space<vmem>>
    %dma_start3A_176 = tpu.memref_squeeze %dma_start3A_175 : memref<1x256x64xf32, #tpu.memory_space<vmem>> -> memref<256x64xf32, #tpu.memory_space<vmem>>
    %dma_start3A_177 = arith.constant 0 : i32
    %dma_start3A_178 = tpu.memref_slice %arg4[%add3A_171, %dma_start3A_177] : memref<819200x128xf32, #tpu.memory_space<hbm>> -> memref<256x64xf32, #tpu.memory_space<hbm>>
    %dma_start3A_179 = arith.constant 0 : i32
    %dma_start3A_180 = tpu.memref_slice %arg4[%add3A_171, %dma_start3A_179] : memref<819200x128xf32, #tpu.memory_space<hbm>> -> memref<256x64xf32, #tpu.memory_space<hbm>>
    %dma_start3A_181 = arith.constant 0 : i32
    %dma_start3A_182 = arith.constant 0 : i32
    %dma_start3A_183 = tpu.memref_slice %arg6[%dma_start3A_172, %dma_start3A_181, %dma_start3A_182] : memref<4x256x64xf32, #tpu.memory_space<vmem>> -> memref<1x256x64xf32, #tpu.memory_space<vmem>>
    %dma_start3A_184 = tpu.memref_squeeze %dma_start3A_183 : memref<1x256x64xf32, #tpu.memory_space<vmem>> -> memref<256x64xf32, #tpu.memory_space<vmem>>
    tpu.enqueue_dma source(%dma_start3A_184 : memref<256x64xf32, #tpu.memory_space<vmem>>) target(%dma_start3A_180 : memref<256x64xf32, #tpu.memory_space<hbm>>) target_semaphore(%arg14 : memref<!tpu.dma_semaphore, #tpu.memory_space<semaphore_mem>>)
    %dma_wait3A_185 = arith.constant 3 : i32
    %dma_wait3A_186 = arith.constant 0 : i32
    %dma_wait3A_187 = arith.constant 0 : i32
    %dma_wait3A_188 = tpu.memref_slice %arg6[%dma_wait3A_185, %dma_wait3A_186, %dma_wait3A_187] : memref<4x256x64xf32, #tpu.memory_space<vmem>> -> memref<1x256x64xf32, #tpu.memory_space<vmem>>
    %dma_wait3A_189 = tpu.memref_squeeze %dma_wait3A_188 : memref<1x256x64xf32, #tpu.memory_space<vmem>> -> memref<256x64xf32, #tpu.memory_space<vmem>>
    %dma_wait3A_190 = arith.constant 0 : i32
    %dma_wait3A_191 = tpu.memref_slice %arg4[%mul3A_2, %dma_wait3A_190] : memref<819200x128xf32, #tpu.memory_space<hbm>> -> memref<256x64xf32, #tpu.memory_space<hbm>>
    %dma_wait3A_192 = arith.constant 0 : i32
    %dma_wait3A_193 = tpu.memref_slice %arg4[%mul3A_2, %dma_wait3A_192] : memref<819200x128xf32, #tpu.memory_space<hbm>> -> memref<256x64xf32, #tpu.memory_space<hbm>>
    %dma_wait3A_194 = arith.constant 0 : i32
    %dma_wait3A_195 = arith.constant 0 : i32
    %dma_wait3A_196 = tpu.memref_slice %arg6[%dma_wait3A_185, %dma_wait3A_194, %dma_wait3A_195] : memref<4x256x64xf32, #tpu.memory_space<vmem>> -> memref<1x256x64xf32, #tpu.memory_space<vmem>>
    %dma_wait3A_197 = tpu.memref_squeeze %dma_wait3A_196 : memref<1x256x64xf32, #tpu.memory_space<vmem>> -> memref<256x64xf32, #tpu.memory_space<vmem>>
    tpu.wait_dma2 semaphore(%arg14 : memref<!tpu.dma_semaphore, #tpu.memory_space<semaphore_mem>>) src(%dma_wait3A_197 : memref<256x64xf32, #tpu.memory_space<vmem>>) dst(%dma_wait3A_193 : memref<256x64xf32, #tpu.memory_space<hbm>>)
    return
  }
}

</mosaic_0001>

<sc_bundles>
// kernel: kernel.3.cloned.1.call-start
scs
__scs_entry_jumppad:
0x0: {  	(pc) =	sbr.rel $0x88, $3  }
0x1: {  	(tag) =	ssettag $0x0;
	lr =	simm.s32 $0x1  }
0x2: {  	[smem:$0x3F9F] =	sst lr;
	_ =	strace $0xD0000000  }
0x3: {  	_ = 	snop  }
0x4: {  	_ = 	snop  }
0x5: {  	_ = 	snop  }
0x6: {  	_ = 	snop  }
0x7: {  	_ = 	snop  }
__scs_overlays_trampoline_lowered:
0x8: {  	[smem:$0x3FAE] =	sst s0  }
0x9: {  	[smem:$0x3FAF] =	sst s1  }
0xa: {  	[smem:$0x3FB0] =	sst s2  }
0xb: {  	[smem:$0x3FB1] =	sst s3  }
0xc: {  	[smem:$0x3FB2] =	sst s4  }
0xd: {  	[smem:$0x3FB3] =	sst s5  }
0xe: {  	[smem:$0x3FB4] =	sst s6  }
0xf: {  	[smem:$0x3FB5] =	sst s7  }
0x10: {  	[smem:$0x3FB6] =	sst s8  }
0x11: {  	[smem:$0x3FB7] =	sst s9;
	s0 =	simm.s32 @!p0 $0x0  }
0x12: {  	s1 =	sld [smem:$0x3F9D];
	s0 =	simm.s32 @p0 $0x1  }
0x13: {  	[smem:$0x3FB8] =	sst s0;
	s0 =	simm.s32 @!p1 $0x0  }
0x14: {  	s2 =	sld [smem:$0x3F9C];
	s0 =	simm.s32 @p1 $0x1  }
0x15: {  	[smem:$0x3FB9] =	sst s0;
	s0 =	simm.s32 @!p2 $0x0  }
0x16: {  	s3 =	sld [smem:$0x3FDB];
	s0 =	simm.s32 @p2 $0x1  }
0x17: {  	s4 =	simm.s32 $0x1BF5;
	[smem:$0x3FBB] =	sst s0  }
0x18: {  	s0 =	sld [smem:$0x3F9E];
	_ =	swait.ge [sflag:s4], $0x0  }
0x19: {  	s7 =	sld [smem:$0x3F9F]  }
0x1a: {  	s8 =	sadd.s32 $0xFFFFE003, lr  }
0x1b: {  	s9 =	sadd.s32 $0xFFFFFEF7, lr;
	s5 =	simm.s32 $0xFFFFFFFF;
	p2 =	slt.u32 s8, $0xFFFFF086  }
0x1c: {  	p1 =	slt.u32 s9, $0xF7A;
	s5 =	simm.s32 @!p2 $0x0  }
0x1d: {  	s5 =	simm.s32 @p1 $0x1;
	p0 =	seq.s32 s7, s2  }
0x1e: {  	s7 =	smul.u32 @!p0 $0xF7A, s2;
	p2 =	seq.s32 @!p0 s5, $0x0  }
0x1f: {  	s9 =	smul.u32 $0xF7A, s1;
	s8 =	simm.s32 @!p0 $0x1BF5;
	p2 =	por !p2, p0  }
0x20: {  	[sflag:s8] =	ssyncset.s32 @!p0 $0xFFFFF086;
	s6 =	sadd.s32 @!p0 s3, s7;
	s7 =	simm.s32 @!p0 $0x108  }
0x21: {  	s3 =	sadd.s32 s3, s9;
	s6 =	sadd.s32 @!p0 $0x88, s6;
	s7 =	simm.s32 @p2 $0x1082  }
0x22: {  	[simem:s7], [sflag:s8] =	dma.local @!p0 [hbm:s6], $0xF7A  }
0x23: {  	s9 =	sor.u32 $0xD0000000, s2;
	s6 =	simm.s32 $0x108;
	_ =	swait.ge @!p0 [sflag:s8], $0x0  }
0x24: {  	s3 =	sadd.s32 $0x88, s3;
	s6 =	simm.s32 @!p1 $0x1082;
	[sflag:s4] =	ssyncset.s32 $0xFFFFF086  }
0x25: {  	[simem:s6], [sflag:s4] =	dma.local [hbm:s3], $0xF7A  }
0x26: {  	[smem:$0x3F9F] =	sst s1;
	(tag) =	ssettag s2;
	_ =	strace s9  }
0x27: {  	s1 =	sld [smem:$0x3FAF]  }
0x28: {  	s2 =	sld [smem:$0x3FB0]  }
0x29: {  	s4 =	sld [smem:$0x3FB2]  }
0x2a: {  	p0 =	seq.s32 s5, $0x0;
	s5 =	sld [smem:$0x3FB3]  }
0x2b: {  	s6 =	sld [smem:$0x3FB4]  }
0x2c: {  	s7 =	sld [smem:$0x3FB5]  }
0x2d: {  	s3 =	simm.s32 $0x108;
	s8 =	sld [smem:$0x3FB6]  }
0x2e: {  	s3 =	simm.s32 @!p0 $0x1082;
	s9 =	sld [smem:$0x3FB7]  }
0x2f: {  	lr =	sadd.s32 s0, s3;
	s0 =	sld [smem:$0x3FAE]  }
0x30: {  	s3 =	sld [smem:$0x3FB1]  }
0x31: {  	[smem:$0x3FBA] =	sst s10  }
0x32: {  	s10 =	sld [smem:$0x3FB8];
	_ =	sdelay $0x3  }
0x33: {  	p0 =	seq.s32 s10, $0x1;
	s10 =	sld [smem:$0x3FBA];
	_ =	sdelay $0x3  }
0x34: {  	[smem:$0x3FBA] =	sst s10  }
0x35: {  	s10 =	sld [smem:$0x3FB9];
	_ =	sdelay $0x3  }
0x36: {  	p1 =	seq.s32 s10, $0x1;
	s10 =	sld [smem:$0x3FBA];
	_ =	sdelay $0x3  }
0x37: {  	[smem:$0x3FBA] =	sst s10  }
0x38: {  	s10 =	sld [smem:$0x3FBB]  }
0x39: {  	_ = 	snop;
	(pc) =	sbr.ind lr, $3  }
0x3a: {  	_ = 	snop  }
0x3b: {  	_ = 	snop  }
0x3c: {  	p2 =	seq.s32 s10, $0x1;
	s10 =	sld [smem:$0x3FBA]  }
0x3d: {  	_ =	shalt  }
0x3e: {  	_ =	shalt  }
0x3f: {  	_ =	shalt  }
0x40: {  	_ =	shalt  }
0x41: {  	_ =	shalt  }
0x42: {  	_ =	shalt  }
0x43: {  	_ =	shalt  }
0x44: {  	_ =	shalt  }
0x45: {  	_ =	shalt  }
0x46: {  	_ =	shalt  }
0x47: {  	_ =	shalt  }
0x48: {  	_ =	shalt  }
0x49: {  	_ =	shalt  }
0x4a: {  	_ =	shalt  }
0x4b: {  	_ =	shalt  }
0x4c: {  	_ =	shalt  }
0x4d: {  	_ =	shalt  }
0x4e: {  	_ =	shalt  }
0x4f: {  	_ =	shalt  }
0x50: {  	_ =	shalt  }
0x51: {  	_ =	shalt  }
0x52: {  	_ =	shalt  }
0x53: {  	_ =	shalt  }
0x54: {  	_ =	shalt  }
0x55: {  	_ =	shalt  }
0x56: {  	_ =	shalt  }
0x57: {  	_ =	shalt  }
0x58: {  	_ =	shalt  }
0x59: {  	_ =	shalt  }
0x5a: {  	_ =	shalt  }
0x5b: {  	_ =	shalt  }
0x5c: {  	_ =	shalt  }
0x5d: {  	_ =	shalt  }
0x5e: {  	_ =	shalt  }
0x5f: {  	_ =	shalt  }
0x60: {  	_ =	shalt  }
0x61: {  	_ =	shalt  }
0x62: {  	_ =	shalt  }
0x63: {  	_ =	shalt  }
0x64: {  	_ =	shalt  }
0x65: {  	_ =	shalt  }
0x66: {  	_ =	shalt  }
0x67: {  	_ =	shalt  }
0x68: {  	_ =	shalt  }
0x69: {  	_ =	shalt  }
0x6a: {  	_ =	shalt  }
0x6b: {  	_ =	shalt  }
0x6c: {  	_ =	shalt  }
0x6d: {  	_ =	shalt  }
0x6e: {  	_ =	shalt  }
0x6f: {  	_ =	shalt  }
0x70: {  	_ =	shalt  }
0x71: {  	_ =	shalt  }
0x72: {  	_ =	shalt  }
0x73: {  	_ =	shalt  }
0x74: {  	_ =	shalt  }
0x75: {  	_ =	shalt  }
0x76: {  	_ =	shalt  }
0x77: {  	_ =	shalt  }
0x78: {  	_ =	shalt  }
0x79: {  	_ =	shalt  }
0x7a: {  	_ =	shalt  }
0x7b: {  	_ =	shalt  }
0x7c: {  	_ =	shalt  }
0x7d: {  	_ =	shalt  }
0x7e: {  	_ =	shalt  }
0x7f: {  	_ =	shalt  }
0x80: {  	_ =	shalt  }
0x81: {  	_ =	shalt  }
0x82: {  	_ =	shalt  }
0x83: {  	_ =	shalt  }
0x84: {  	_ =	shalt  }
0x85: {  	_ =	shalt  }
0x86: {  	_ =	shalt  }
0x87: {  	_ =	shalt  }
.Lfunc_end0:
.L_simem_size_0:
called_computation.1_lowered:
.L_overlay_start_0:
0x88: {  	s2 =	sld [smem:$0x3FD9]  }
0x89: {  	s3 =	sld [smem:$0x3FFE];
	_ =	sdelay $0x1  }
0x8a: {  	s1 =	srdreg.scid  }
0x8b: {  	s0 =	sand.u32 $0x1, s1  }
0x8c: {  	s17 =	sshll.u32 s0, $0xA;
	s2 =	sadd.s32 s3, s2  }
0x8d: {  	s2 =	sadd.s32 s2, s17  }
0x8e: {  	[smem:$0x3FC6] =	sst s2  }
0x8f: {  	_ = 	snop  }
0x90: {  	s2 =	sld [smem:$0x3FD0];
	(tm) =	ssettm $0x1  }
0x91: {  	s18 =	sld [smem:$0x3FFB];
	_ =	sdelay $0x3  }
0x92: {  	_ =	strace s18  }
0x93: {  	s3 =	sld [smem:$0x3FFC];
	_ =	sdelay $0x3  }
0x94: {  	_ =	strace s3  }
0x95: {  	s3 =	sld [smem:$0x3FFD];
	_ =	sdelay $0x3  }
0x96: {  	_ =	strace s3  }
0x97: {  	_ =	strace $0x8FFFFFFF  }
0x98: {  	s19 =	sld [smem:$0x3FDB];
	_ =	sdelay $0x1  }
0x99: {  	s4 =	simm.s32 $_scs_section_size  }
0x9a: {  	s5 =	simm.s32 $_size__tile_overlayer_lowered;
	s6 =	simm.s32 $_tile_overlayer_lowered  }
0x9b: {  	s22 =	simm.s32 $0x1BFF;
	s21 =	sshll.u32 s6, $0x1;
	s3 =	sadd.s32 s4, s19  }
0x9c: {  	s7 =	simm.s32 $0x0;
	s20 =	sshll.u32 s5, $0x1;
	s5 =	sadd.s32 s21, s3  }
0x9d: {  	[timem:s7], [sflag:s22] =	dma.local [hbm:s5], s20  }
0x9e: {  	_ =	swait.ge [sflag:s22], s20  }
0x9f: {  	s4 =	ssub.s32 $0x0, s20;
	[sflag:s22] =	ssyncset.done $0x0  }
0xa0: {  	[sflag:s22] =	ssyncadd.s32 s4;
	_ =	sdelay $0x1  }
0xa1: {  	s23 =	simm.s32 $0x1B8B  }
0xa2: {  	_ =	swait.ge [sflag:s23], $0x1  }
0xa3: {  	[sflag:s23] =	ssyncset.done $0x0  }
0xa4: {  	s25 =	simm.s32 $0x1B8E;
	s24 =	sld [smem:$0x3FFE];
	[sflag:s23] =	ssyncadd.s32 $0xFFFFFFFF  }
0xa5: {  	s26 =	simm.s32 $execute0_lowered;
	[smem:$0x3FD2] =	sst s25  }
0xa6: {  	s5 =	sshll.u32 s26, $0x1;
	_ =	strace $0x80000046;
	[dreg:$0x1] =	wrdreg $0xFFFFFFFF  }
0xa7: {  	s28 =	simm.s32 $_size_execute0_lowered;
	s3 =	sadd.s32 s3, s5;
	[dreg:$0x0] =	wrdreg $0x0  }
0xa8: {  	s5 =	sshll.u32 s28, $0x1;
	[dreg:$0x2] =	wrdreg s3  }
0xa9: {  	[dreg:$0x3] =	wrdreg s5  }
0xaa: {  	[dreg:$0x4] =	wrdreg $0xC0  }
0xab: {  	_ =	task [dreg:s7], $0x5FFFF  }
0xac: {  	[dreg:$0x1] =	wrdreg $0xFFFFFFFF  }
0xad: {  	[dreg:$0x0] =	wrdreg $0x60  }
0xae: {  	[dreg:$0x2] =	wrdreg s2  }
0xaf: {  	[dreg:$0x3] =	wrdreg s24  }
0xb0: {  	[dreg:$0x4] =	wrdreg $0x9  }
0xb1: {  	_ =	task.clear_ibuf [dreg:s7], $0x5FFFF;
	_ =	strace $0x90000046  }
0xb2: {  	s29 =	simm.s32 $0x9;
	_ =	strace $0x80000048  }
0xb3: {  	_ =	swait.ge [sflag:s29], $0x1  }
0xb4: {  	[sflag:s29] =	ssyncadd.s32 $0xFFFFFFFF  }
0xb5: {  	_ =	strace $0x90000048  }
0xb6: {  	_ =	sfence  }
0xb7: {  	s30 =	sld [smem:$0x0];
	_ =	sdelay $0x2  }
0xb8: {  	s31 =	sshll.u32 s1, $0xD;
	s1 =	sshrl.u32 s1, $0x2  }
0xb9: {  	s3 =	sand.u32 $0x4000, s31;
	s1 =	sadd.s32 s1, s30  }
0xba: {  	s0 =	sor.u32 s3, s0;
	s1 =	sshll.u32 s1, $0x11  }
0xbb: {  	s0 =	sor.u32 s1, s0  }
0xbc: {  	s0 =	sadd.s32 $0x8F2B, s0  }
0xbd: {  	[sflag:s0] =	ssyncadd.remote.s32 $0x1  }
0xbe: {  	_ =	sfence.sel $0xFFFF  }
0xbf: {  	[dreg:$0x0] =	wrdreg $0xFFFFFFFF;
	(pc) =	sbr.abs _section_cstart, $3  }
0xc0: {  	[dreg:$0x1] =	wrdreg $0xFFFFFFFF  }
0xc1: {  	_ =	task.clear_ibuf [dreg:s7], $0x2FFFF;
	_ =	strace $0x9FFFFFFF  }
0xc2: {  	(tm) =	ssettm $0x7FFFFFFF  }
0xc3: {  	_ =	shalt  }
tec
execute0_lowered:
.L_overlay_start_1:
0x0: {  	(tag) =	ssettag $0x1  }
0x1: {  	s0 =	rddreg [dreg:$0x0];
	s1 =	srdreg.scid  }
0x2: {  	s10 =	stileid.u32;
	s2 =	rddreg [dreg:$0x1]  }
0x3: {  	s4 =	simm.s32 $0x0;
	s14 =	simm.s32 $0x9;
	s15 =	simm.s32 $0x100  }
0x4: {  	s16 =	simm.s32 $0x6400;
	s17 =	simm.s32 $0xA400;
	s8 =	smul.u32 $0x640000, s10  }
0x5: {  	s28 =	simm.s32 $0x6;
	s1 =	sand.u32 $0x1, s1;
	s19 =	smul.u32 $0xC800, s10  }
0x6: {  	s29 =	simm.s32 $0x3;
	s3 =	sshll.u32 s10, $0x1;
	s21 =	smul.u32 $0x6400, s1  }
0x7: {  	s3 =	sor.u32 s1, s3;
	s5 =	ssub.s32 $0x2, s1;
	s1 =	smul.u32 $0x320000, s1  }
0x8: {  	s30 =	simm.s32 $0x7;
	[smem:$0x7FF] =	sst s4;
	s18 =	smul.u32 $0x6400, s3  }
0x9: {  	s31 =	simm.s32 $0x4;
	_ =	strace $0x80000047;
	s6 =	smul.u32 $0x320000, s3  }
0xa: {  	s3 =	sadd.s32 $0xF42E00, s2;
	s7 =	sshrl.u32 s5, $0x1;
	s2 =	sadd.s32 $0xA00, s2  }
0xb: {  	s9 =	ssub.s32 s5, s7;
	s24 =	sadd.s32 s21, s19;
	s1 =	sadd.s32 s1, s8  }
0xc: {  	s19 =	simm.s32 $0xE400;
	s21 =	simm.s32 $0x12400;
	s4 =	sshrl.u32 s18, $0x3  }
0xd: {  	s20 =	sshrl.u32 s6, $0x3;
	s25 =	sshrl.u32 s1, $0x3;
	s9 =	smax.u32 s9, $0x1  }
0xe: {  	s1 =	simm.s32 $0x8;
	s0 =	sadd.s32 s0, s4;
	s22 =	sadd.s32 s2, s20  }
0xf: {  	s4 =	sshll.u32 s24, $0x4;
	s10 =	sadd.s32 s25, s2;
	s24 =	simm.s32 $0x80  }
0x10: {  	s25 =	simm.s32 $0x5;
	[dreg:$0x3] =	wrdreg s0;
	s23 =	sadd.s32 $0x60000, s22  }
0x11: {  	s6 =	sadd.s32 $0x61000, s22;
	s7 =	sadd.s32 $0x62000, s22;
	s8 =	sadd.s32 $0x63000, s22  }
0x12: {  	s26 =	sadd.s32 s4, s2;
	s22 =	simm.s32 $0x1;
	s0 =	simm.s32 $0x0  }
0x13: {  	[dreg:$0x4] =	wrdreg s23;
	s11 =	sadd.s32 $0x3000, s26;
	s12 =	sadd.s32 $0x2000, s26  }
0x14: {  	s13 =	sadd.s32 $0x1000, s26;
	s23 =	simm.s32 $0x40;
	s26 =	simm.s32 $0x2  }
.LBB2_1:
0x15: {  	s2 =	simm.s32 $0x0;
	s4 =	rddreg [dreg:$0x3]  }
0x16: {  	[tilespmem:s2], [sflag:$0x9] =	stream.linear.gather [hbm4b:s4+s2], $0x6400, $0x38;
	[tilespmem:$0x16400] =	vst v63  }
0x17: {  	_ =	swait.ge [sflag:s14], $0x6400  }
0x18: {  	[sflag:s14] =	ssyncset.done $0x0  }
0x19: {  	[sflag:s14] =	ssyncadd.s32 $0xFFFF9C00  }
0x1a: {  	[tilespmem:s16], [sflag:$0x1] =	stream.indirect.gather [hbm4b:s3+s15], $0x40, s2, s15, $0xb8;
	[tilespmem:$0x16400] =	vst v63  }
0x1b: {  	_ = 	snop  }
0x1c: {  	[tilespmem:s17], [sflag:$0x2] =	stream.indirect.gather [hbm4b:s3+s15], $0x40, s15, s15, $0xb8;
	[tilespmem:$0x16400] =	vst v63  }
0x1d: {  	s20 =	simm.s32 $0x200  }
0x1e: {  	[tilespmem:s19], [sflag:$0x3] =	stream.indirect.gather [hbm4b:s3+s15], $0x40, s20, s15, $0xb8;
	[tilespmem:$0x16400] =	vst v63  }
0x1f: {  	s4 =	simm.s32 $0x300  }
0x20: {  	[tilespmem:s21], [sflag:$0x4] =	stream.indirect.gather [hbm4b:s3+s15], $0x40, s4, s15, $0xb8;
	[tilespmem:$0x16400] =	vst v63  }
0x21: {  	_ =	swait.ge [sflag:s22], $0x4000  }
0x22: {  	[sflag:s22] =	ssyncset.done $0x0  }
0x23: {  	s5 =	sadd.s32 $0x0, s10;
	[sflag:s22] =	ssyncadd.s32 $0xFFFFC000  }
0x24: {  	[hbm4b:s5+s23] =	stream.strided.scatter [tilespmem:s16], [sflag:$0x5], $0x4000, s24, s23, $0x38;
	[tilespmem:$0x16400] =	vst v63  }
0x25: {  	_ =	swait.ge [sflag:s25], $0x4000  }
0x26: {  	[sflag:s25] =	ssyncset.done $0x0  }
0x27: {  	s18 =	simm.s32 $0x400;
	[sflag:s25] =	ssyncadd.s32 $0xFFFFC000  }
0x28: {  	[tilespmem:s16], [sflag:$0x1] =	stream.indirect.gather [hbm4b:s3+s15], $0x40, s18, s15, $0xb8;
	[tilespmem:$0x16400] =	vst v63  }
0x29: {  	_ =	swait.ge [sflag:s26], $0x4000  }
0x2a: {  	[sflag:s26] =	ssyncset.done $0x0  }
0x2b: {  	s20 =	sadd.s32 $0x0, s13;
	[sflag:s26] =	ssyncadd.s32 $0xFFFFC000  }
0x2c: {  	[hbm4b:s20+s23] =	stream.strided.scatter [tilespmem:s17], [sflag:$0x6], $0x4000, s24, s23, $0x38;
	[tilespmem:$0x16400] =	vst v63  }
0x2d: {  	_ =	swait.ge [sflag:s28], $0x4000  }
0x2e: {  	[sflag:s28] =	ssyncset.done $0x0  }
0x2f: {  	s4 =	simm.s32 $0x500;
	[sflag:s28] =	ssyncadd.s32 $0xFFFFC000  }
0x30: {  	[tilespmem:s17], [sflag:$0x2] =	stream.indirect.gather [hbm4b:s3+s15], $0x40, s4, s15, $0xb8;
	[tilespmem:$0x16400] =	vst v63  }
0x31: {  	_ =	swait.ge [sflag:s29], $0x4000  }
0x32: {  	[sflag:s29] =	ssyncset.done $0x0  }
0x33: {  	s5 =	sadd.s32 $0x0, s12;
	[sflag:s29] =	ssyncadd.s32 $0xFFFFC000  }
0x34: {  	[hbm4b:s5+s23] =	stream.strided.scatter [tilespmem:s19], [sflag:$0x7], $0x4000, s24, s23, $0x38;
	[tilespmem:$0x16400] =	vst v63  }
0x35: {  	_ =	swait.ge [sflag:s30], $0x4000  }
0x36: {  	[sflag:s30] =	ssyncset.done $0x0  }
0x37: {  	s18 =	simm.s32 $0x600;
	[sflag:s30] =	ssyncadd.s32 $0xFFFFC000  }
0x38: {  	[tilespmem:s19], [sflag:$0x3] =	stream.indirect.gather [hbm4b:s3+s15], $0x40, s18, s15, $0xb8;
	[tilespmem:$0x16400] =	vst v63  }
0x39: {  	_ =	swait.ge [sflag:s31], $0x4000  }
0x3a: {  	[sflag:s31] =	ssyncset.done $0x0  }
0x3b: {  	s20 =	sadd.s32 $0x0, s11;
	[sflag:s31] =	ssyncadd.s32 $0xFFFFC000  }
0x3c: {  	[hbm4b:s20+s23] =	stream.strided.scatter [tilespmem:s21], [sflag:$0x8], $0x4000, s24, s23, $0x38;
	[tilespmem:$0x16400] =	vst v63  }
0x3d: {  	_ =	swait.ge [sflag:s1], $0x4000  }
0x3e: {  	s2 =	simm.s32 $0xB00;
	[sflag:s1] =	ssyncset.done $0x0  }
0x3f: {  	s18 =	simm.s32 $0x700;
	s20 =	simm.s32 $0x4000;
	[sflag:s1] =	ssyncadd.s32 $0xFFFFC000  }
.LBB2_2:
0x40: {  	[tilespmem:s21], [sflag:$0x4] =	stream.indirect.gather [hbm4b:s3+s15], $0x40, s18, s15, $0xb8;
	[tilespmem:$0x16400] =	vst v63  }
0x41: {  	s4 =	smov.u32 s20;
	s18 =	smov.u32 s2  }
0x42: {  	p0 =	sne.s32 s20, $0x5C000;
	s20 =	sadd.s32 $0x4000, s20;
	_ =	swait.ge [sflag:s22], $0x4000  }
0x43: {  	[sflag:s22] =	ssyncset.done $0x0  }
0x44: {  	s5 =	sadd.s32 s4, s10;
	[sflag:s22] =	ssyncadd.s32 $0xFFFFC000  }
0x45: {  	[hbm4b:s5+s23] =	stream.strided.scatter [tilespmem:s16], [sflag:$0x5], $0x4000, s24, s23, $0x38;
	[tilespmem:$0x16400] =	vst v63  }
0x46: {  	_ =	swait.ge [sflag:s25], $0x4000  }
0x47: {  	[sflag:s25] =	ssyncset.done $0x0  }
0x48: {  	s5 =	sadd.s32 $0xFFFFFD00, s2;
	[sflag:s25] =	ssyncadd.s32 $0xFFFFC000  }
0x49: {  	[tilespmem:s16], [sflag:$0x1] =	stream.indirect.gather [hbm4b:s3+s15], $0x40, s5, s15, $0xb8;
	[tilespmem:$0x16400] =	vst v63  }
0x4a: {  	_ =	swait.ge [sflag:s26], $0x4000  }
0x4b: {  	[sflag:s26] =	ssyncset.done $0x0  }
0x4c: {  	s5 =	sadd.s32 s4, s13;
	[sflag:s26] =	ssyncadd.s32 $0xFFFFC000  }
0x4d: {  	[hbm4b:s5+s23] =	stream.strided.scatter [tilespmem:s17], [sflag:$0x6], $0x4000, s24, s23, $0x38;
	[tilespmem:$0x16400] =	vst v63  }
0x4e: {  	_ =	swait.ge [sflag:s28], $0x4000  }
0x4f: {  	[sflag:s28] =	ssyncset.done $0x0  }
0x50: {  	s5 =	sadd.s32 $0xFFFFFE00, s2;
	[sflag:s28] =	ssyncadd.s32 $0xFFFFC000  }
0x51: {  	[tilespmem:s17], [sflag:$0x2] =	stream.indirect.gather [hbm4b:s3+s15], $0x40, s5, s15, $0xb8;
	[tilespmem:$0x16400] =	vst v63  }
0x52: {  	_ =	swait.ge [sflag:s29], $0x4000  }
0x53: {  	[sflag:s29] =	ssyncset.done $0x0  }
0x54: {  	s5 =	sadd.s32 s4, s12;
	[sflag:s29] =	ssyncadd.s32 $0xFFFFC000  }
0x55: {  	[hbm4b:s5+s23] =	stream.strided.scatter [tilespmem:s19], [sflag:$0x7], $0x4000, s24, s23, $0x38;
	[tilespmem:$0x16400] =	vst v63  }
0x56: {  	_ =	swait.ge [sflag:s30], $0x4000  }
0x57: {  	[sflag:s30] =	ssyncset.done $0x0  }
0x58: {  	s5 =	sadd.s32 $0xFFFFFF00, s2;
	[sflag:s30] =	ssyncadd.s32 $0xFFFFC000  }
0x59: {  	[tilespmem:s19], [sflag:$0x3] =	stream.indirect.gather [hbm4b:s3+s15], $0x40, s5, s15, $0xb8;
	[tilespmem:$0x16400] =	vst v63  }
0x5a: {  	_ =	swait.ge [sflag:s31], $0x4000  }
0x5b: {  	[sflag:s31] =	ssyncset.done $0x0  }
.Ltmp0:
0x5c: {  	s4 =	sadd.s32 s4, s11;
	[sflag:s31] =	ssyncadd.s32 $0xFFFFC000;
	(pc) =	sbr.rel @p0 .LBB2_2-.Ltmp0, $4  }
0x5d: {  	[hbm4b:s4+s23] =	stream.strided.scatter [tilespmem:s21], [sflag:$0x8], $0x4000, s24, s23, $0x38;
	[tilespmem:$0x16400] =	vst v63  }
0x5e: {  	_ =	swait.ge [sflag:s1], $0x4000  }
0x5f: {  	[sflag:s1] =	ssyncset.done $0x0  }
0x60: {  	s2 =	sadd.s32 $0x400, s2;
	[sflag:s1] =	ssyncadd.s32 $0xFFFFC000  }
0x61: {  	[tilespmem:s21], [sflag:$0x4] =	stream.indirect.gather [hbm4b:s3+s15], $0x40, s18, s15, $0xb8;
	[tilespmem:$0x16400] =	vst v63  }
0x62: {  	_ =	swait.ge [sflag:s22], $0x4000  }
0x63: {  	[sflag:s22] =	ssyncset.done $0x0  }
0x64: {  	s2 =	rddreg [dreg:$0x4];
	[sflag:s22] =	ssyncadd.s32 $0xFFFFC000  }
0x65: {  	[hbm4b:s2+s23] =	stream.strided.scatter [tilespmem:s16], [sflag:$0x5], $0x4000, s24, s23, $0x38;
	[tilespmem:$0x16400] =	vst v63  }
0x66: {  	_ =	swait.ge [sflag:s25], $0x4000  }
0x67: {  	[sflag:s25] =	ssyncset.done $0x0  }
0x68: {  	[sflag:s25] =	ssyncadd.s32 $0xFFFFC000  }
0x69: {  	_ =	swait.ge [sflag:s26], $0x4000  }
0x6a: {  	[sflag:s26] =	ssyncset.done $0x0  }
0x6b: {  	[sflag:s26] =	ssyncadd.s32 $0xFFFFC000  }
0x6c: {  	[hbm4b:s6+s23] =	stream.strided.scatter [tilespmem:s17], [sflag:$0x6], $0x4000, s24, s23, $0x38;
	[tilespmem:$0x16400] =	vst v63  }
0x6d: {  	_ =	swait.ge [sflag:s28], $0x4000  }
0x6e: {  	[sflag:s28] =	ssyncset.done $0x0  }
0x6f: {  	[sflag:s28] =	ssyncadd.s32 $0xFFFFC000  }
0x70: {  	_ =	swait.ge [sflag:s29], $0x4000  }
0x71: {  	[sflag:s29] =	ssyncset.done $0x0  }
0x72: {  	[sflag:s29] =	ssyncadd.s32 $0xFFFFC000  }
0x73: {  	[hbm4b:s7+s23] =	stream.strided.scatter [tilespmem:s19], [sflag:$0x7], $0x4000, s24, s23, $0x38;
	[tilespmem:$0x16400] =	vst v63  }
0x74: {  	_ =	swait.ge [sflag:s30], $0x4000  }
0x75: {  	[sflag:s30] =	ssyncset.done $0x0  }
0x76: {  	[sflag:s30] =	ssyncadd.s32 $0xFFFFC000  }
0x77: {  	s0 =	sadd.s32 $0x1, s0;
	_ =	swait.ge [sflag:s31], $0x4000  }
0x78: {  	p0 =	sne.s32 s0, s9;
	[sflag:s31] =	ssyncset.done $0x0  }
.Ltmp1:
0x79: {  	[sflag:s31] =	ssyncadd.s32 $0xFFFFC000;
	(pc) =	sbr.rel @p0 .LBB2_1-.Ltmp1, $4  }
0x7a: {  	[hbm4b:s8+s23] =	stream.strided.scatter [tilespmem:s21], [sflag:$0x8], $0x4000, s24, s23, $0x38;
	[tilespmem:$0x16400] =	vst v63  }
0x7b: {  	_ =	swait.ge [sflag:s1], $0x4000  }
0x7c: {  	[sflag:s1] =	ssyncset.done $0x0  }
0x7d: {  	[sflag:s1] =	ssyncadd.s32 $0xFFFFC000  }
0x7e: {  	_ =	sfence.sel $0x180000  }
0x7f: {  	[bflag:$0x0] =	sbarrier.arrive $0xFFFF  }
0x80: {  	_ =	strace $0x90000047  }
0x81: {  	s0 =	stileid.u32;
	[bflag:$0x2] =	sbarrier.arrive $0xFFFF  }
0x82: {  	p0 =	sne.s32 s0, $0x0;
	s0 =	rddreg [dreg:$0x2]  }
0x83: {  	s0 =	sadd.s32 @!p0 $0x100000, s0  }
0x84: {  	[sflag:s0] =	ssyncadd.tile.s32 @!p0 $0x1;
	_ =	shalt  }
.Lfunc_end2:
_tile_overlayer_lowered:
.L_overlay_start_2:
0x85: {  	(tag) =	ssettag $0x2  }
0x86: {  	s0 =	rddreg [dreg:$0x0];
	s2 =	stileid.u32  }
0x87: {  	s1 =	rddreg [dreg:$0x1];
	p0 =	sne.s32 s2, $0x0  }
0x88: {  	s3 =	rddreg [dreg:$0x2];
	[bflag:$0x3] =	sbarrier.arrive $0xFFFF;
	s2 =	simm.s32 @!p0 $0x1C09  }
0x89: {  	[timem:s3], [sflag:s2] =	dma.local @!p0 [hbm:s0], s1  }
0x8a: {  	s0 =	simm.s32 @!p0 $0x9  }
0x8b: {  	_ =	swait.ge @!p0 [sflag:s0], s1  }
0x8c: {  	s1 =	ssub.s32 @!p0 $0x0, s1;
	[sflag:s0] =	ssyncset.done @!p0 $0x0  }
0x8d: {  	[sflag:s0] =	ssyncadd.s32 @!p0 s1  }
0x8e: {  	[bflag:$0x3] =	sbarrier.arrive $0xFFFF  }
0x8f: {  	_ =	shalt  }

// kernel: sparse-core-data-format-call.cloned.1.call-start
scs
called_computation_lowered:
.L_overlay_start_0:
0x0: {  	s2 =	sld [smem:$0x3FD9]  }
0x1: {  	s3 =	sld [smem:$0x3FFE];
	_ =	sdelay $0x1  }
0x2: {  	s1 =	srdreg.scid  }
0x3: {  	s0 =	sand.u32 $0x1, s1  }
0x4: {  	s18 =	sshll.u32 s0, $0xA;
	s2 =	sadd.s32 s3, s2  }
0x5: {  	s2 =	sadd.s32 s2, s18  }
0x6: {  	[smem:$0x3FC6] =	sst s2  }
0x7: {  	_ = 	snop  }
0x8: {  	s2 =	sld [smem:$0x3FD0];
	(tm) =	ssettm $0x1  }
0x9: {  	s19 =	sld [smem:$0x3FFB];
	_ =	sdelay $0x3  }
0xa: {  	_ =	strace s19  }
0xb: {  	s3 =	sld [smem:$0x3FFC];
	_ =	sdelay $0x3  }
0xc: {  	_ =	strace s3  }
0xd: {  	s3 =	sld [smem:$0x3FFD];
	_ =	sdelay $0x3  }
0xe: {  	_ =	strace s3  }
0xf: {  	_ =	strace $0x8FFFFFFF  }
0x10: {  	s20 =	sld [smem:$0x3FDB];
	_ =	sdelay $0x1  }
0x11: {  	s4 =	simm.s32 $_scs_section_size  }
0x12: {  	s5 =	simm.s32 $_size__tile_overlayer_lowered;
	s6 =	simm.s32 $_tile_overlayer_lowered  }
0x13: {  	s23 =	simm.s32 $0x1BFF;
	s22 =	sshll.u32 s6, $0x1;
	s3 =	sadd.s32 s4, s20  }
0x14: {  	s7 =	simm.s32 $0x0;
	s21 =	sshll.u32 s5, $0x1;
	s5 =	sadd.s32 s22, s3  }
0x15: {  	[timem:s7], [sflag:s23] =	dma.local [hbm:s5], s21  }
0x16: {  	_ =	swait.ge [sflag:s23], s21  }
0x17: {  	s4 =	ssub.s32 $0x0, s21;
	[sflag:s23] =	ssyncset.done $0x0  }
0x18: {  	[sflag:s23] =	ssyncadd.s32 s4;
	_ =	sdelay $0x1  }
0x19: {  	s24 =	simm.s32 $0x1B8B  }
0x1a: {  	_ =	swait.ge [sflag:s24], $0x1  }
0x1b: {  	[sflag:s24] =	ssyncset.done $0x0  }
0x1c: {  	s26 =	simm.s32 $0x1B8E;
	s25 =	sld [smem:$0x3FFE];
	[sflag:s24] =	ssyncadd.s32 $0xFFFFFFFF  }
0x1d: {  	s27 =	simm.s32 $execute0_lowered;
	[smem:$0x3FD2] =	sst s26  }
0x1e: {  	s5 =	sshll.u32 s27, $0x1;
	_ =	strace $0x80000049;
	[dreg:$0x1] =	wrdreg $0xFFFFFFFF  }
0x1f: {  	s28 =	simm.s32 $_size_execute0_lowered;
	s3 =	sadd.s32 s3, s5;
	[dreg:$0x0] =	wrdreg $0x0  }
0x20: {  	s5 =	sshll.u32 s28, $0x1;
	[dreg:$0x2] =	wrdreg s3  }
0x21: {  	[dreg:$0x3] =	wrdreg s5  }
0x22: {  	[dreg:$0x4] =	wrdreg $0xC0  }
0x23: {  	_ =	task [dreg:s7], $0x5FFFF  }
0x24: {  	[dreg:$0x1] =	wrdreg $0xFFFFFFFF  }
0x25: {  	[dreg:$0x0] =	wrdreg $0x60  }
0x26: {  	[dreg:$0x2] =	wrdreg s25  }
0x27: {  	[dreg:$0x3] =	wrdreg s2  }
0x28: {  	[dreg:$0x4] =	wrdreg $0x9  }
0x29: {  	_ =	task.clear_ibuf [dreg:s7], $0x5FFFF;
	_ =	strace $0x90000049  }
0x2a: {  	s29 =	simm.s32 $0x9;
	_ =	strace $0x8000004B  }
0x2b: {  	_ =	swait.ge [sflag:s29], $0x1  }
0x2c: {  	[sflag:s29] =	ssyncadd.s32 $0xFFFFFFFF  }
0x2d: {  	_ =	strace $0x9000004B  }
0x2e: {  	_ =	sfence  }
0x2f: {  	s30 =	sld [smem:$0x0];
	_ =	sdelay $0x2  }
0x30: {  	s31 =	sshll.u32 s1, $0xD;
	s1 =	sshrl.u32 s1, $0x2  }
0x31: {  	s3 =	sand.u32 $0x4000, s31;
	s1 =	sadd.s32 s1, s30  }
0x32: {  	s0 =	sor.u32 s3, s0;
	s1 =	sshll.u32 s1, $0x11  }
0x33: {  	s0 =	sor.u32 s1, s0  }
0x34: {  	s0 =	sadd.s32 $0x8F2B, s0  }
0x35: {  	[sflag:s0] =	ssyncadd.remote.s32 $0x1  }
0x36: {  	_ =	sfence.sel $0xFFFF  }
0x37: {  	[dreg:$0x0] =	wrdreg $0xFFFFFFFF;
	(pc) =	sbr.abs _section_cstart, $3  }
0x38: {  	[dreg:$0x1] =	wrdreg $0xFFFFFFFF  }
0x39: {  	_ =	task.clear_ibuf [dreg:s7], $0x2FFFF;
	_ =	strace $0x9FFFFFFF  }
0x3a: {  	(tm) =	ssettm $0x7FFFFFFF  }
0x3b: {  	_ =	shalt  }
tec
execute0_lowered:
.L_overlay_start_1:
0x0: {  	(tag) =	ssettag $0x1  }
0x1: {  	s0 =	srdreg.scid  }
0x2: {  	s1 =	sshll.u32 s0, $0x4  }
0x3: {  	s0 =	stileid.u32;
	s1 =	sand.u32 $0x10, s1  }
0x4: {  	s1 =	sor.u32 s0, s1  }
0x5: {  	s6 =	rddreg [dreg:$0x0];
	s4 =	simm.s32 $0x1;
	s2 =	sshll.u32 s1, $0x7  }
0x6: {  	s7 =	simm.s32 $0x2;
	s12 =	simm.s32 $0x0;
	s1 =	ssub.s32 $0x1000, s2  }
0x7: {  	s8 =	simm.s32 $0x8000;
	s13 =	simm.s32 $0x0;
	s3 =	sand.u32 $0xF80, s1  }
0x8: {  	s9 =	simm.s32 $0x0;
	s5 =	sshrl.u32 s1, $0xC;
	p0 =	sne.s32 s3, $0x0  }
.Ltmp0:
0x9: {  	s1 =	rddreg [dreg:$0x2];
	s4 =	simm.s32 @!p0 $0x0;
	(pc) =	sbr.rel .LBB1_1-.Ltmp0, $4  }
0xa: {  	s11 =	simm.s32 $0x0;
	s3 =	rddreg [dreg:$0x1];
	s5 =	sadd.s32 s4, s5  }
0xb: {  	_ =	strace $0x8000004A;
	s4 =	simm.s32 $0x1;
	s5 =	smul.u32 $0xC8, s5  }
0xc: {  	s6 =	sadd.s32 $0xA00, s6;
	s10 =	smov.u32 s2;
	[sflag:s4] =	ssyncpa.u1 $0x0  }
0xd: {  	p0 =	por $0x0, $0x0;
	[sflag:s7] =	ssyncpa.u1 $0x0;
	s7 =	sor.u32 $0x1, s5  }
.LBB1_4:
0xe: {  	s16 =	sshll.u32 s13, $0x3;
	s17 =	sand.u32 $0x78, s13  }
0xf: {  	s30 =	sand.u32 $0x7E00, s13;
	s12 =	sshll.u32 s12, $0xF;
	s16 =	sand.u32 $0xC00, s16  }
0x10: {  	[tilespmem:s15+$0x810 ss:$0x81] =	vst.msk $0xffff, v2;
	s31 =	sand.u32 $0x7, s13;
	s16 =	sor.u32 s17, s16;
	s17 =	sadd.s32 s3, s30  }
0x11: {  	[tilespmem:s15+$0x1020 ss:$0x81] =	vst.msk $0xffff, v0;
	s13 =	sshll.u32 s31, $0x12;
	s12 =	sadd.s32 s12, s17;
	s16 =	sshrl.u32 s16, $0x3  }
0x12: {  	[tilespmem:s15+$0x0 ss:$0x81] =	vst.msk $0xffff, v1;
	s13 =	sor.u32 $0x400, s13;
	s12 =	sadd.s32 s16, s12  }
0x13: {  	[hbm4b:s12+s13] =	stream.strided.scatter [tilespmem:s14], [sflag:$0x2], $0x2000, s8, s13, $0x20;
	[tilespmem:$0x8080] =	vst v63  }
.LBB1_5:
0x14: {  	s14 =	sadd.s32 $0x1, s9  }
0x15: {  	s12 =	sadd.s32 $0x1000, s10;
	s16 =	smov.u32 s10;
	p2 =	sgt.s32 s14, $0xC7  }
0x16: {  	s16 =	smov.u32 @p2 s12  }
0x17: {  	s14 =	simm.s32 @p2 $0x0;
	p2 =	sgt.s32 s16, $0xFFF  }
0x18: {  	s16 =	smov.u32 @p2 s2;
	p2 =	sne.s32 s11, s7  }
.Ltmp1:
0x19: {  	p1 =	slt.u32 s11, $0x2;
	(pc) =	sbr.rel @!p2 .LBB1_6-.Ltmp1, $4  }
0x1a: {  	s15 =	simm.s32 @!p1 $0x2  }
0x1b: {  	s13 =	smov.u32 s10;
	p0 =	por !p0, !p0;
	_ =	swait.ge @!p1 [sflag:s15], $0x2000  }
0x1c: {  	s12 =	smov.u32 s9;
	[sflag:s15] =	ssyncset.done @!p1 $0x0;
	s9 =	smov.u32 s14  }
0x1d: {  	s11 =	sadd.s32 $0x1, s11;
	[sflag:s15] =	ssyncadd.s32 @!p1 $0xFFFFE000;
	s10 =	smov.u32 s16  }
.LBB1_1:
0x1e: {  	p1 =	sge.u32 s11, s5  }
0x1f: {  	s14 =	sand.u32 @!p1 $0x1FFFFFF, s9  }
0x20: {  	s15 =	smulhi.u32 @!p1 $0x147AE15, s14;
	_ =	sdelay $0x1  }
0x21: {  	s15 =	smul.u32 @!p1 $0xC8, s15  }
0x22: {  	s16 =	sxor.u32 @!p1 $0xFFFFFFFF, s11;
	s17 =	smul.u32 @!p1 $0xC80, s10  }
0x23: {  	s31 =	sadd.s32 $0xFFFFFFFF, s11;
	s16 =	sshll.u32 @!p1 s16, $0xD;
	s14 =	ssub.s32 @!p1 s14, s15  }
0x24: {  	s15 =	sand.u32 @!p1 $0x2000, s16;
	s16 =	sadd.s32 @!p1 s6, s17;
	s14 =	sshll.u32 @!p1 s14, $0x4  }
0x25: {  	s17 =	simm.s32 @!p1 $0x6400;
	s14 =	sadd.s32 @!p1 s14, s16;
	s16 =	simm.s32 @!p1 $0x40  }
0x26: {  	[tilespmem:s15], [sflag:$0x1] =	stream.strided.gather @!p1 [hbm4b:s14+s16], $0x2000, s17, s16, $0x38;
	[tilespmem:$0x8080] =	vst v63  }
0x27: {  	p1 =	sge.u32 s31, s5  }
.Ltmp2:
0x28: {  	_ = 	snop;
	(pc) =	sbr.rel @p1 .LBB1_5-.Ltmp2, $1  }
0x29: {  	_ =	sdelay $0x3  }
0x2a: {  	s14 =	simm.s32 $0x1  }
0x2b: {  	_ =	swait.ge [sflag:s4], $0x2000;
	s14 =	simm.s32 @!p0 $0x0  }
0x2c: {  	[sflag:s4] =	ssyncset.done $0x0;
	s15 =	sshll.u32 s14, $0xD  }
0x2d: {  	[sflag:s4] =	ssyncadd.s32 $0xFFFFE000;
	s18 =	sor.u32 $0x20, s15  }
0x2e: {  	s14 =	smul.u32 $0x8100, s14;
	v3 =	vld [tilespmem:s18+$0x10]  }
0x2f: {  	s30 =	sand.u32 $0x1, s11;
	v2 =	vld [tilespmem:s18+$0xFFFFFFF0]  }
0x30: {  	s15 =	smul.u32 $0x8100, s30;
	s14 =	sshrl.u32 s14, $0x2;
	v0 =	vld [tilespmem:s18+$0x0]  }
0x31: {  	v1 =	vld [tilespmem:s18+$0xFFFFFFE0];
	s16 =	sor.u32 $0x4000, s14  }
0x32: {  	s31 =	sshrl.u32 s15, $0x2;
	s15 =	sadd.s32 $0x0, s16  }
0x33: {  	s17 =	simm.s32 $0x4;
	s18 =	sadd.s32 $0x40, s18;
	s14 =	sor.u32 $0x4000, s31;
	[tilespmem:s15+$0x1830 ss:$0x81] =	vst.msk $0xffff, v3  }
.LBB1_3:
0x34: {  	v3 =	vld [tilespmem:s18+$0x10];
	p1 =	sne.s32 s17, $0x1FC;
	[tilespmem:s15+$0x810 ss:$0x81] =	vst.msk $0xffff, v2;
	s19 =	smov.u32 s17;
	s17 =	sadd.s32 $0x4, s17  }
.Ltmp3:
0x35: {  	v2 =	vld [tilespmem:s18+$0xFFFFFFF0];
	[tilespmem:s15+$0x1020 ss:$0x81] =	vst.msk $0xffff, v0;
	(pc) =	sbr.rel @p1 .LBB1_3-.Ltmp3, $4  }
0x36: {  	v0 =	vld [tilespmem:s18+$0x0];
	[tilespmem:s15+$0x0 ss:$0x81] =	vst.msk $0xffff, v1  }
0x37: {  	s15 =	sshra.s32 s19, $0x2;
	v1 =	vld [tilespmem:s18+$0xFFFFFFE0]  }
0x38: {  	s15 =	sadd.s32 s15, s16  }
0x39: {  	s18 =	sadd.s32 $0x40, s18;
	[tilespmem:s15+$0x1830 ss:$0x81] =	vst.msk $0xffff, v3  }
.Ltmp4:
0x3a: {  	_ = 	snop;
	(pc) =	sbr.rel .LBB1_4-.Ltmp4, $1  }
0x3b: {  	_ =	sdelay $0x3  }
.LBB1_6:
0x3c: {  	_ =	sfence.sel $0x180000  }
0x3d: {  	s2 =	simm.s32 $0x1;
	[bflag:$0x0] =	sbarrier.arrive $0xFFFF  }
0x3e: {  	s31 =	simm.s32 $0x2;
	[sflag:s2] =	ssyncpa.u1 $0x1  }
0x3f: {  	[sflag:s31] =	ssyncpa.u1 $0x1  }
0x40: {  	p0 =	sne.s32 s0, $0x0;
	_ =	strace $0x9000004A  }
0x41: {  	s0 =	sadd.s32 @!p0 $0x100000, s1;
	[bflag:$0x2] =	sbarrier.arrive $0xFFFF  }
0x42: {  	[sflag:s0] =	ssyncadd.tile.s32 @!p0 $0x1;
	_ =	shalt  }
.Lfunc_end1:
_tile_overlayer_lowered:
.L_overlay_start_2:
0x43: {  	(tag) =	ssettag $0x2  }
0x44: {  	s0 =	rddreg [dreg:$0x0];
	s2 =	stileid.u32  }
0x45: {  	s1 =	rddreg [dreg:$0x1];
	p0 =	sne.s32 s2, $0x0  }
0x46: {  	s3 =	rddreg [dreg:$0x2];
	[bflag:$0x3] =	sbarrier.arrive $0xFFFF;
	s2 =	simm.s32 @!p0 $0x1C01  }
0x47: {  	[timem:s3], [sflag:s2] =	dma.local @!p0 [hbm:s0], s1  }
0x48: {  	s0 =	simm.s32 @!p0 $0x1  }
0x49: {  	_ =	swait.ge @!p0 [sflag:s0], s1  }
0x4a: {  	s1 =	ssub.s32 @!p0 $0x0, s1;
	[sflag:s0] =	ssyncset.done @!p0 $0x0  }
0x4b: {  	[sflag:s0] =	ssyncadd.s32 @!p0 s1  }
0x4c: {  	[bflag:$0x3] =	sbarrier.arrive $0xFFFF  }
0x4d: {  	_ =	shalt  }

</sc_bundles>
